<compile_context>
chip_gen: v7x
topology: tpu7x:2x2x1
jax: 0.10.2.dev20260603
libtpu: 0.0.44.dev20260713+nightly
codegen_flags: <defaults>
</compile_context>

<pallas_src>
import functools

import jax
import jax.numpy as jnp
from jax import lax
from jax.experimental import pallas as pl
from jax.experimental.pallas import tpu as pltpu
from jax.experimental.pallas import tpu_sc as plsc

_NUM_CORES = 2
_NUM_SUBCORES = 16
_NUM_WORKERS = _NUM_CORES * _NUM_SUBCORES

_CHUNK = 64
_K = 5
_PAD_DIM = 128


@functools.partial(jax.jit, static_argnames=("n_chunks", "embed_dim"))
def _sc_gather(ids3, table, *, n_chunks, embed_dim):
  n_rows = _NUM_WORKERS * n_chunks * _CHUNK
  rows_per_worker = n_chunks * _CHUNK
  n_groups = n_chunks // _K
  assert n_chunks % _K == 0 and n_groups % 2 == 0
  n_pairs = n_groups // 2

  mesh = plsc.VectorSubcoreMesh(
      core_axis_name="c", subcore_axis_name="s",
      num_cores=_NUM_CORES, num_subcores=_NUM_SUBCORES)

  @functools.partial(
      pl.kernel,
      out_type=jax.ShapeDtypeStruct((n_rows, embed_dim), jnp.float32),
      mesh=mesh,
      scratch_types=[
          pltpu.VMEM((n_chunks, _CHUNK), jnp.int32),
          pltpu.VMEM((2, _K, _CHUNK, _PAD_DIM), jnp.float32),
          pltpu.SemaphoreType.DMA,
          pltpu.SemaphoreType.DMA,
          pltpu.SemaphoreType.DMA,
          pltpu.SemaphoreType.DMA,
      ],
      compiler_params=pltpu.CompilerParams(use_tc_tiling_on_sc=False),
  )
  def gather_kernel(ids_hbm, table_hbm, out_hbm, idx_v, rows_v,
                    gsem0, gsem1, wsem0, wsem1):
    wid = lax.axis_index("s") * _NUM_CORES + lax.axis_index("c")
    base = wid * rows_per_worker
    gsem = (gsem0, gsem1)
    wsem = (wsem0, wsem1)

    pltpu.sync_copy(ids_hbm.at[wid], idx_v)

    def g_copy(h, b, g):
      j = g * _K + b
      return pltpu.make_async_copy(
          table_hbm.at[idx_v.at[j]], rows_v.at[h, b], gsem[h])

    def w_copy(h, b, g):
      j = g * _K + b
      return pltpu.make_async_copy(
          rows_v.at[h, b, :, pl.ds(0, embed_dim)],
          out_hbm.at[pl.ds(base + j * _CHUNK, _CHUNK)],
          wsem[h])

    def fire_g(h, g):
      for b in range(_K):
        g_copy(h, b, g).start()

    def drain_g(h, g):
      for b in range(_K):
        g_copy(h, b, g).wait()

    def fire_w(h, g):
      for b in range(_K):
        w_copy(h, b, g).start()

    def drain_w(h, g):
      for b in range(_K):
        w_copy(h, b, g).wait()

    fire_g(0, 0)

    def body(p, carry):
      g0 = 2 * p
      drain_g(0, g0)
      pl.when(p > 0)(lambda: drain_w(1, g0 - 1))
      fire_g(1, g0 + 1)
      fire_w(0, g0)
      drain_g(1, g0 + 1)
      drain_w(0, g0)
      pl.when(p < n_pairs - 1)(lambda: fire_g(0, g0 + 2))
      fire_w(1, g0 + 1)
      return carry

    lax.fori_loop(0, n_pairs, body, 0)
    drain_w(1, n_groups - 1)

  return gather_kernel(ids3, table)


def kernel(ids, table, mask):
  b, t = ids.shape
  vocab, embed_dim = table.shape
  n = b * t
  assert n % (_NUM_WORKERS * _CHUNK) == 0
  n_chunks = n // (_NUM_WORKERS * _CHUNK)
  ids3 = ids.reshape(_NUM_WORKERS, n_chunks, _CHUNK)
  table_pad = jnp.pad(table, ((0, 0), (0, _PAD_DIM - embed_dim)))
  rows = _sc_gather(ids3, table_pad, n_chunks=n_chunks, embed_dim=embed_dim)
  return (rows.reshape(b, t, embed_dim), mask)

# --- scband reference (transcript-rebuilt; emitter-appended) ---
"""Pipeline reference for scband-state-encoder-36747740184910 (READ-ONLY COPY).

The authoritative reference and input builder live on the scoring server;
editing this copy changes nothing except your own understanding.
"""

import jax, jax.numpy as jnp
import numpy as np

VOCAB = 1000000
EMBED_DIM = 64
B = 1024
T = 200

def setup_inputs(seed: int = 0) -> dict:
    key = jax.random.key(seed)
    k1, k2 = jax.random.split(key, 2)
    # token ids produced by the tokenizer; padding id is 0
    ids = jax.random.randint(k1, (B, T), 0, VOCAB)
    # backbone input-embedding matrix (nn.Embedding weight)
    table = jax.random.normal(k2, (VOCAB, EMBED_DIM), dtype=jnp.float32) * 0.02
    # validity mask: True where a real token exists (all valid here)
    mask = jnp.ones((B, T), dtype=bool)
    return {"ids": ids, "table": table, "mask": mask}

def reference(ids, table, mask):
    # StateEncoder.encode core: kv = self.embed(id_tensor); return (kv, mask)
    # padded positions have id 0 -> row 0 of the table, matching torch behavior
    kv = jnp.take(table, ids, axis=0)  # [B, T, H] embedding gather
    return (kv, mask)

if __name__ == "__main__":
    import jax
    _d = setup_inputs()
    print(jax.jit(kernel)(*tuple(_d.values())))

</pallas_src>

<mosaic_0001>
#map = affine_map<(d0, d1) -> (0, 0, 0)>
#map1 = affine_map<(d0, d1) -> (0, 0)>
module attributes {stable_mosaic.version = 14 : i64} {
  func.func @gather_kernel(%arg0: i32, %arg1: i32, %arg2: memref<32x100x64xi32, #tpu.memory_space<hbm>>, %arg3: memref<1000000x128xf32, #tpu.memory_space<hbm>>, %arg4: memref<204800x64xf32, #tpu.memory_space<hbm>>, %arg5: memref<100x64xi32, #tpu.memory_space<vmem>>, %arg6: memref<2x5x64x128xf32, #tpu.memory_space<vmem>>, %arg7: memref<!tpu.dma_semaphore, #tpu.memory_space<semaphore_mem>>, %arg8: memref<!tpu.dma_semaphore, #tpu.memory_space<semaphore_mem>>, %arg9: memref<!tpu.dma_semaphore, #tpu.memory_space<semaphore_mem>>, %arg10: memref<!tpu.dma_semaphore, #tpu.memory_space<semaphore_mem>>) attributes {dimension_semantics = [#tpu.dimension_semantics<core_parallel>, #tpu.dimension_semantics<subcore_parallel>], iteration_bounds = array<i64: 2, 16>, scalar_prefetch = 0 : i64, scratch_operands = 6 : i64, tpu.core_type = #tpu.core_type<sc_vector_subcore>, window_params = [{transform_indices = #map}, {transform_indices = #map1}, {transform_indices = #map1}]} {
    %mul3A = arith.constant 2 : i32
    %mul3A_0 = arith.muli %arg1, %mul3A : i32
    %add3A = arith.addi %mul3A_0, %arg0 : i32
    %mul3A_1 = arith.constant 6400 : i32
    %mul3A_2 = arith.muli %add3A, %mul3A_1 : i32
    "tpu.region"() ({
      %run_scoped3A = tpu.sem_alloc : memref<!tpu.dma_semaphore, #tpu.memory_space<semaphore_mem>>
      %dma_start3A_151 = arith.constant 0 : i32
      %dma_start3A_152 = arith.constant 0 : i32
      %dma_start3A_153 = tpu.memref_slice %arg2[%add3A, %dma_start3A_151, %dma_start3A_152] : memref<32x100x64xi32, #tpu.memory_space<hbm>> -> memref<1x100x64xi32, #tpu.memory_space<hbm>>
      %dma_start3A_154 = tpu.memref_squeeze %dma_start3A_153 : memref<1x100x64xi32, #tpu.memory_space<hbm>> -> memref<100x64xi32, #tpu.memory_space<hbm>>
      %dma_start3A_155 = arith.constant 0 : i32
      %dma_start3A_156 = arith.constant 0 : i32
      %dma_start3A_157 = tpu.memref_slice %arg2[%add3A, %dma_start3A_155, %dma_start3A_156] : memref<32x100x64xi32, #tpu.memory_space<hbm>> -> memref<1x100x64xi32, #tpu.memory_space<hbm>>
      %dma_start3A_158 = tpu.memref_squeeze %dma_start3A_157 : memref<1x100x64xi32, #tpu.memory_space<hbm>> -> memref<100x64xi32, #tpu.memory_space<hbm>>
      tpu.enqueue_dma source(%dma_start3A_158 : memref<100x64xi32, #tpu.memory_space<hbm>>) target(%arg5 : memref<100x64xi32, #tpu.memory_space<vmem>>) target_semaphore(%run_scoped3A : memref<!tpu.dma_semaphore, #tpu.memory_space<semaphore_mem>>)
      %dma_wait3A_159 = arith.constant 0 : i32
      %dma_wait3A_160 = arith.constant 0 : i32
      %dma_wait3A_161 = tpu.memref_slice %arg2[%add3A, %dma_wait3A_159, %dma_wait3A_160] : memref<32x100x64xi32, #tpu.memory_space<hbm>> -> memref<1x100x64xi32, #tpu.memory_space<hbm>>
      %dma_wait3A_162 = tpu.memref_squeeze %dma_wait3A_161 : memref<1x100x64xi32, #tpu.memory_space<hbm>> -> memref<100x64xi32, #tpu.memory_space<hbm>>
      %dma_wait3A_163 = arith.constant 0 : i32
      %dma_wait3A_164 = arith.constant 0 : i32
      %dma_wait3A_165 = tpu.memref_slice %arg2[%add3A, %dma_wait3A_163, %dma_wait3A_164] : memref<32x100x64xi32, #tpu.memory_space<hbm>> -> memref<1x100x64xi32, #tpu.memory_space<hbm>>
      %dma_wait3A_166 = tpu.memref_squeeze %dma_wait3A_165 : memref<1x100x64xi32, #tpu.memory_space<hbm>> -> memref<100x64xi32, #tpu.memory_space<hbm>>
      tpu.wait_dma2 semaphore(%run_scoped3A : memref<!tpu.dma_semaphore, #tpu.memory_space<semaphore_mem>>) src(%dma_wait3A_166 : memref<100x64xi32, #tpu.memory_space<hbm>>) dst(%arg5 : memref<100x64xi32, #tpu.memory_space<vmem>>)
      tpu.yield
    }) : () -> ()
    %dma_start3A = arith.constant 0 : i32
    %dma_start3A_3 = arith.constant 0 : i32
    %dma_start3A_4 = arith.constant 0 : i32
    %dma_start3A_5 = arith.constant 0 : i32
    %dma_start3A_6 = arith.constant 0 : i32
    %dma_start3A_7 = tpu.memref_slice %arg6[%dma_start3A_3, %dma_start3A_4, %dma_start3A_5, %dma_start3A_6] : memref<2x5x64x128xf32, #tpu.memory_space<vmem>> -> memref<1x1x64x128xf32, #tpu.memory_space<vmem>>
    %dma_start3A_8 = tpu.memref_squeeze %dma_start3A_7 : memref<1x1x64x128xf32, #tpu.memory_space<vmem>> -> memref<64x128xf32, #tpu.memory_space<vmem>>
    %dma_start3A_9 = arith.constant 0 : i32
    %dma_start3A_10 = tpu.memref_slice %arg5[%dma_start3A, %dma_start3A_9] : memref<100x64xi32, #tpu.memory_space<vmem>> -> memref<1x64xi32, #tpu.memory_space<vmem>>
    %dma_start3A_11 = tpu.memref_squeeze %dma_start3A_10 : memref<1x64xi32, #tpu.memory_space<vmem>> -> memref<64xi32, #tpu.memory_space<vmem>>
    %dma_start3A_12 = arith.constant 0 : i32
    %dma_start3A_13 = arith.constant 0 : i32
    %dma_start3A_14 = tpu.memref_slice %arg3[%dma_start3A_12, %dma_start3A_13] : memref<1000000x128xf32, #tpu.memory_space<hbm>> -> memref<1000000x128xf32, #tpu.memory_space<hbm>>
    tpu.enqueue_indirect_dma source(%dma_start3A_14 : memref<1000000x128xf32, #tpu.memory_space<hbm>>) target(%dma_start3A_8 : memref<64x128xf32, #tpu.memory_space<vmem>>) offsets(%dma_start3A_11 : memref<64xi32, #tpu.memory_space<vmem>>) semaphore(%arg7 : memref<!tpu.dma_semaphore, #tpu.memory_space<semaphore_mem>>)
    %dma_start3A_15 = arith.constant 1 : i32
    %dma_start3A_16 = arith.constant 0 : i32
    %dma_start3A_17 = arith.constant 1 : i32
    %dma_start3A_18 = arith.constant 0 : i32
    %dma_start3A_19 = arith.constant 0 : i32
    %dma_start3A_20 = tpu.memref_slice %arg6[%dma_start3A_16, %dma_start3A_17, %dma_start3A_18, %dma_start3A_19] : memref<2x5x64x128xf32, #tpu.memory_space<vmem>> -> memref<1x1x64x128xf32, #tpu.memory_space<vmem>>
    %dma_start3A_21 = tpu.memref_squeeze %dma_start3A_20 : memref<1x1x64x128xf32, #tpu.memory_space<vmem>> -> memref<64x128xf32, #tpu.memory_space<vmem>>
    %dma_start3A_22 = arith.constant 0 : i32
    %dma_start3A_23 = tpu.memref_slice %arg5[%dma_start3A_15, %dma_start3A_22] : memref<100x64xi32, #tpu.memory_space<vmem>> -> memref<1x64xi32, #tpu.memory_space<vmem>>
    %dma_start3A_24 = tpu.memref_squeeze %dma_start3A_23 : memref<1x64xi32, #tpu.memory_space<vmem>> -> memref<64xi32, #tpu.memory_space<vmem>>
    %dma_start3A_25 = arith.constant 0 : i32
    %dma_start3A_26 = arith.constant 0 : i32
    %dma_start3A_27 = tpu.memref_slice %arg3[%dma_start3A_25, %dma_start3A_26] : memref<1000000x128xf32, #tpu.memory_space<hbm>> -> memref<1000000x128xf32, #tpu.memory_space<hbm>>
    tpu.enqueue_indirect_dma source(%dma_start3A_27 : memref<1000000x128xf32, #tpu.memory_space<hbm>>) target(%dma_start3A_21 : memref<64x128xf32, #tpu.memory_space<vmem>>) offsets(%dma_start3A_24 : memref<64xi32, #tpu.memory_space<vmem>>) semaphore(%arg7 : memref<!tpu.dma_semaphore, #tpu.memory_space<semaphore_mem>>)
    %dma_start3A_28 = arith.constant 2 : i32
    %dma_start3A_29 = arith.constant 0 : i32
    %dma_start3A_30 = arith.constant 2 : i32
    %dma_start3A_31 = arith.constant 0 : i32
    %dma_start3A_32 = arith.constant 0 : i32
    %dma_start3A_33 = tpu.memref_slice %arg6[%dma_start3A_29, %dma_start3A_30, %dma_start3A_31, %dma_start3A_32] : memref<2x5x64x128xf32, #tpu.memory_space<vmem>> -> memref<1x1x64x128xf32, #tpu.memory_space<vmem>>
    %dma_start3A_34 = tpu.memref_squeeze %dma_start3A_33 : memref<1x1x64x128xf32, #tpu.memory_space<vmem>> -> memref<64x128xf32, #tpu.memory_space<vmem>>
    %dma_start3A_35 = arith.constant 0 : i32
    %dma_start3A_36 = tpu.memref_slice %arg5[%dma_start3A_28, %dma_start3A_35] : memref<100x64xi32, #tpu.memory_space<vmem>> -> memref<1x64xi32, #tpu.memory_space<vmem>>
    %dma_start3A_37 = tpu.memref_squeeze %dma_start3A_36 : memref<1x64xi32, #tpu.memory_space<vmem>> -> memref<64xi32, #tpu.memory_space<vmem>>
    %dma_start3A_38 = arith.constant 0 : i32
    %dma_start3A_39 = arith.constant 0 : i32
    %dma_start3A_40 = tpu.memref_slice %arg3[%dma_start3A_38, %dma_start3A_39] : memref<1000000x128xf32, #tpu.memory_space<hbm>> -> memref<1000000x128xf32, #tpu.memory_space<hbm>>
    tpu.enqueue_indirect_dma source(%dma_start3A_40 : memref<1000000x128xf32, #tpu.memory_space<hbm>>) target(%dma_start3A_34 : memref<64x128xf32, #tpu.memory_space<vmem>>) offsets(%dma_start3A_37 : memref<64xi32, #tpu.memory_space<vmem>>) semaphore(%arg7 : memref<!tpu.dma_semaphore, #tpu.memory_space<semaphore_mem>>)
    %dma_start3A_41 = arith.constant 3 : i32
    %dma_start3A_42 = arith.constant 0 : i32
    %dma_start3A_43 = arith.constant 3 : i32
    %dma_start3A_44 = arith.constant 0 : i32
    %dma_start3A_45 = arith.constant 0 : i32
    %dma_start3A_46 = tpu.memref_slice %arg6[%dma_start3A_42, %dma_start3A_43, %dma_start3A_44, %dma_start3A_45] : memref<2x5x64x128xf32, #tpu.memory_space<vmem>> -> memref<1x1x64x128xf32, #tpu.memory_space<vmem>>
    %dma_start3A_47 = tpu.memref_squeeze %dma_start3A_46 : memref<1x1x64x128xf32, #tpu.memory_space<vmem>> -> memref<64x128xf32, #tpu.memory_space<vmem>>
    %dma_start3A_48 = arith.constant 0 : i32
    %dma_start3A_49 = tpu.memref_slice %arg5[%dma_start3A_41, %dma_start3A_48] : memref<100x64xi32, #tpu.memory_space<vmem>> -> memref<1x64xi32, #tpu.memory_space<vmem>>
    %dma_start3A_50 = tpu.memref_squeeze %dma_start3A_49 : memref<1x64xi32, #tpu.memory_space<vmem>> -> memref<64xi32, #tpu.memory_space<vmem>>
    %dma_start3A_51 = arith.constant 0 : i32
    %dma_start3A_52 = arith.constant 0 : i32
    %dma_start3A_53 = tpu.memref_slice %arg3[%dma_start3A_51, %dma_start3A_52] : memref<1000000x128xf32, #tpu.memory_space<hbm>> -> memref<1000000x128xf32, #tpu.memory_space<hbm>>
    tpu.enqueue_indirect_dma source(%dma_start3A_53 : memref<1000000x128xf32, #tpu.memory_space<hbm>>) target(%dma_start3A_47 : memref<64x128xf32, #tpu.memory_space<vmem>>) offsets(%dma_start3A_50 : memref<64xi32, #tpu.memory_space<vmem>>) semaphore(%arg7 : memref<!tpu.dma_semaphore, #tpu.memory_space<semaphore_mem>>)
    %dma_start3A_54 = arith.constant 4 : i32
    %dma_start3A_55 = arith.constant 0 : i32
    %dma_start3A_56 = arith.constant 4 : i32
    %dma_start3A_57 = arith.constant 0 : i32
    %dma_start3A_58 = arith.constant 0 : i32
    %dma_start3A_59 = tpu.memref_slice %arg6[%dma_start3A_55, %dma_start3A_56, %dma_start3A_57, %dma_start3A_58] : memref<2x5x64x128xf32, #tpu.memory_space<vmem>> -> memref<1x1x64x128xf32, #tpu.memory_space<vmem>>
    %dma_start3A_60 = tpu.memref_squeeze %dma_start3A_59 : memref<1x1x64x128xf32, #tpu.memory_space<vmem>> -> memref<64x128xf32, #tpu.memory_space<vmem>>
    %dma_start3A_61 = arith.constant 0 : i32
    %dma_start3A_62 = tpu.memref_slice %arg5[%dma_start3A_54, %dma_start3A_61] : memref<100x64xi32, #tpu.memory_space<vmem>> -> memref<1x64xi32, #tpu.memory_space<vmem>>
    %dma_start3A_63 = tpu.memref_squeeze %dma_start3A_62 : memref<1x64xi32, #tpu.memory_space<vmem>> -> memref<64xi32, #tpu.memory_space<vmem>>
    %dma_start3A_64 = arith.constant 0 : i32
    %dma_start3A_65 = arith.constant 0 : i32
    %dma_start3A_66 = tpu.memref_slice %arg3[%dma_start3A_64, %dma_start3A_65] : memref<1000000x128xf32, #tpu.memory_space<hbm>> -> memref<1000000x128xf32, #tpu.memory_space<hbm>>
    tpu.enqueue_indirect_dma source(%dma_start3A_66 : memref<1000000x128xf32, #tpu.memory_space<hbm>>) target(%dma_start3A_60 : memref<64x128xf32, #tpu.memory_space<vmem>>) offsets(%dma_start3A_63 : memref<64xi32, #tpu.memory_space<vmem>>) semaphore(%arg7 : memref<!tpu.dma_semaphore, #tpu.memory_space<semaphore_mem>>)
    %scan3A = arith.constant 0 : i32
    %scan3A_67 = arith.constant 0 : i32
    %scan3A_68 = arith.constant 10 : i32
    %scan3A_69 = arith.addi %scan3A_67, %scan3A_68 : i32
    %scan3A_70 = arith.constant 1 : i32
    scf.for %scan3A_151 = %scan3A_67 to %scan3A_69 step %scan3A_70  : i32 {
      %mul3A_152 = arith.constant 2 : i32
      %mul3A_153 = arith.muli %mul3A_152, %scan3A_151 : i32
      %mul3A_154 = arith.constant 5 : i32
      %mul3A_155 = arith.muli %mul3A_153, %mul3A_154 : i32
      %add3A_156 = arith.constant 0 : i32
      %add3A_157 = arith.addi %mul3A_155, %add3A_156 : i32
      %dma_wait3A_158 = arith.constant 0 : i32
      %dma_wait3A_159 = arith.constant 0 : i32
      %dma_wait3A_160 = arith.constant 0 : i32
      %dma_wait3A_161 = arith.constant 0 : i32
      %dma_wait3A_162 = tpu.memref_slice %arg6[%dma_wait3A_158, %dma_wait3A_159, %dma_wait3A_160, %dma_wait3A_161] : memref<2x5x64x128xf32, #tpu.memory_space<vmem>> -> memref<1x1x64x128xf32, #tpu.memory_space<vmem>>
      %dma_wait3A_163 = tpu.memref_squeeze %dma_wait3A_162 : memref<1x1x64x128xf32, #tpu.memory_space<vmem>> -> memref<64x128xf32, #tpu.memory_space<vmem>>
      %dma_wait3A_164 = arith.constant 0 : i32
      %dma_wait3A_165 = tpu.memref_slice %arg5[%add3A_157, %dma_wait3A_164] : memref<100x64xi32, #tpu.memory_space<vmem>> -> memref<1x64xi32, #tpu.memory_space<vmem>>
      %dma_wait3A_166 = tpu.memref_squeeze %dma_wait3A_165 : memref<1x64xi32, #tpu.memory_space<vmem>> -> memref<64xi32, #tpu.memory_space<vmem>>
      %dma_wait3A_167 = arith.constant 0 : i32
      %dma_wait3A_168 = arith.constant 0 : i32
      %dma_wait3A_169 = tpu.memref_slice %arg3[%dma_wait3A_167, %dma_wait3A_168] : memref<1000000x128xf32, #tpu.memory_space<hbm>> -> memref<1000000x128xf32, #tpu.memory_space<hbm>>
      tpu.wait_indirect_dma semaphore(%arg7 : memref<!tpu.dma_semaphore, #tpu.memory_space<semaphore_mem>>) src(%dma_wait3A_169 : memref<1000000x128xf32, #tpu.memory_space<hbm>>) dst(%dma_wait3A_163 : memref<64x128xf32, #tpu.memory_space<vmem>>)
      %mul3A_170 = arith.constant 5 : i32
      %mul3A_171 = arith.muli %mul3A_153, %mul3A_170 : i32
      %add3A_172 = arith.constant 1 : i32
      %add3A_173 = arith.addi %mul3A_171, %add3A_172 : i32
      %dma_wait3A_174 = arith.constant 0 : i32
      %dma_wait3A_175 = arith.constant 1 : i32
      %dma_wait3A_176 = arith.constant 0 : i32
      %dma_wait3A_177 = arith.constant 0 : i32
      %dma_wait3A_178 = tpu.memref_slice %arg6[%dma_wait3A_174, %dma_wait3A_175, %dma_wait3A_176, %dma_wait3A_177] : memref<2x5x64x128xf32, #tpu.memory_space<vmem>> -> memref<1x1x64x128xf32, #tpu.memory_space<vmem>>
      %dma_wait3A_179 = tpu.memref_squeeze %dma_wait3A_178 : memref<1x1x64x128xf32, #tpu.memory_space<vmem>> -> memref<64x128xf32, #tpu.memory_space<vmem>>
      %dma_wait3A_180 = arith.constant 0 : i32
      %dma_wait3A_181 = tpu.memref_slice %arg5[%add3A_173, %dma_wait3A_180] : memref<100x64xi32, #tpu.memory_space<vmem>> -> memref<1x64xi32, #tpu.memory_space<vmem>>
      %dma_wait3A_182 = tpu.memref_squeeze %dma_wait3A_181 : memref<1x64xi32, #tpu.memory_space<vmem>> -> memref<64xi32, #tpu.memory_space<vmem>>
      %dma_wait3A_183 = arith.constant 0 : i32
      %dma_wait3A_184 = arith.constant 0 : i32
      %dma_wait3A_185 = tpu.memref_slice %arg3[%dma_wait3A_183, %dma_wait3A_184] : memref<1000000x128xf32, #tpu.memory_space<hbm>> -> memref<1000000x128xf32, #tpu.memory_space<hbm>>
      tpu.wait_indirect_dma semaphore(%arg7 : memref<!tpu.dma_semaphore, #tpu.memory_space<semaphore_mem>>) src(%dma_wait3A_185 : memref<1000000x128xf32, #tpu.memory_space<hbm>>) dst(%dma_wait3A_179 : memref<64x128xf32, #tpu.memory_space<vmem>>)
      %mul3A_186 = arith.constant 5 : i32
      %mul3A_187 = arith.muli %mul3A_153, %mul3A_186 : i32
      %add3A_188 = arith.constant 2 : i32
      %add3A_189 = arith.addi %mul3A_187, %add3A_188 : i32
      %dma_wait3A_190 = arith.constant 0 : i32
      %dma_wait3A_191 = arith.constant 2 : i32
      %dma_wait3A_192 = arith.constant 0 : i32
      %dma_wait3A_193 = arith.constant 0 : i32
      %dma_wait3A_194 = tpu.memref_slice %arg6[%dma_wait3A_190, %dma_wait3A_191, %dma_wait3A_192, %dma_wait3A_193] : memref<2x5x64x128xf32, #tpu.memory_space<vmem>> -> memref<1x1x64x128xf32, #tpu.memory_space<vmem>>
      %dma_wait3A_195 = tpu.memref_squeeze %dma_wait3A_194 : memref<1x1x64x128xf32, #tpu.memory_space<vmem>> -> memref<64x128xf32, #tpu.memory_space<vmem>>
      %dma_wait3A_196 = arith.constant 0 : i32
      %dma_wait3A_197 = tpu.memref_slice %arg5[%add3A_189, %dma_wait3A_196] : memref<100x64xi32, #tpu.memory_space<vmem>> -> memref<1x64xi32, #tpu.memory_space<vmem>>
      %dma_wait3A_198 = tpu.memref_squeeze %dma_wait3A_197 : memref<1x64xi32, #tpu.memory_space<vmem>> -> memref<64xi32, #tpu.memory_space<vmem>>
      %dma_wait3A_199 = arith.constant 0 : i32
      %dma_wait3A_200 = arith.constant 0 : i32
      %dma_wait3A_201 = tpu.memref_slice %arg3[%dma_wait3A_199, %dma_wait3A_200] : memref<1000000x128xf32, #tpu.memory_space<hbm>> -> memref<1000000x128xf32, #tpu.memory_space<hbm>>
      tpu.wait_indirect_dma semaphore(%arg7 : memref<!tpu.dma_semaphore, #tpu.memory_space<semaphore_mem>>) src(%dma_wait3A_201 : memref<1000000x128xf32, #tpu.memory_space<hbm>>) dst(%dma_wait3A_195 : memref<64x128xf32, #tpu.memory_space<vmem>>)
      %mul3A_202 = arith.constant 5 : i32
      %mul3A_203 = arith.muli %mul3A_153, %mul3A_202 : i32
      %add3A_204 = arith.constant 3 : i32
      %add3A_205 = arith.addi %mul3A_203, %add3A_204 : i32
      %dma_wait3A_206 = arith.constant 0 : i32
      %dma_wait3A_207 = arith.constant 3 : i32
      %dma_wait3A_208 = arith.constant 0 : i32
      %dma_wait3A_209 = arith.constant 0 : i32
      %dma_wait3A_210 = tpu.memref_slice %arg6[%dma_wait3A_206, %dma_wait3A_207, %dma_wait3A_208, %dma_wait3A_209] : memref<2x5x64x128xf32, #tpu.memory_space<vmem>> -> memref<1x1x64x128xf32, #tpu.memory_space<vmem>>
      %dma_wait3A_211 = tpu.memref_squeeze %dma_wait3A_210 : memref<1x1x64x128xf32, #tpu.memory_space<vmem>> -> memref<64x128xf32, #tpu.memory_space<vmem>>
      %dma_wait3A_212 = arith.constant 0 : i32
      %dma_wait3A_213 = tpu.memref_slice %arg5[%add3A_205, %dma_wait3A_212] : memref<100x64xi32, #tpu.memory_space<vmem>> -> memref<1x64xi32, #tpu.memory_space<vmem>>
      %dma_wait3A_214 = tpu.memref_squeeze %dma_wait3A_213 : memref<1x64xi32, #tpu.memory_space<vmem>> -> memref<64xi32, #tpu.memory_space<vmem>>
      %dma_wait3A_215 = arith.constant 0 : i32
      %dma_wait3A_216 = arith.constant 0 : i32
      %dma_wait3A_217 = tpu.memref_slice %arg3[%dma_wait3A_215, %dma_wait3A_216] : memref<1000000x128xf32, #tpu.memory_space<hbm>> -> memref<1000000x128xf32, #tpu.memory_space<hbm>>
      tpu.wait_indirect_dma semaphore(%arg7 : memref<!tpu.dma_semaphore, #tpu.memory_space<semaphore_mem>>) src(%dma_wait3A_217 : memref<1000000x128xf32, #tpu.memory_space<hbm>>) dst(%dma_wait3A_211 : memref<64x128xf32, #tpu.memory_space<vmem>>)
      %mul3A_218 = arith.constant 5 : i32
      %mul3A_219 = arith.muli %mul3A_153, %mul3A_218 : i32
      %add3A_220 = arith.constant 4 : i32
      %add3A_221 = arith.addi %mul3A_219, %add3A_220 : i32
      %dma_wait3A_222 = arith.constant 0 : i32
      %dma_wait3A_223 = arith.constant 4 : i32
      %dma_wait3A_224 = arith.constant 0 : i32
      %dma_wait3A_225 = arith.constant 0 : i32
      %dma_wait3A_226 = tpu.memref_slice %arg6[%dma_wait3A_222, %dma_wait3A_223, %dma_wait3A_224, %dma_wait3A_225] : memref<2x5x64x128xf32, #tpu.memory_space<vmem>> -> memref<1x1x64x128xf32, #tpu.memory_space<vmem>>
      %dma_wait3A_227 = tpu.memref_squeeze %dma_wait3A_226 : memref<1x1x64x128xf32, #tpu.memory_space<vmem>> -> memref<64x128xf32, #tpu.memory_space<vmem>>
      %dma_wait3A_228 = arith.constant 0 : i32
      %dma_wait3A_229 = tpu.memref_slice %arg5[%add3A_221, %dma_wait3A_228] : memref<100x64xi32, #tpu.memory_space<vmem>> -> memref<1x64xi32, #tpu.memory_space<vmem>>
      %dma_wait3A_230 = tpu.memref_squeeze %dma_wait3A_229 : memref<1x64xi32, #tpu.memory_space<vmem>> -> memref<64xi32, #tpu.memory_space<vmem>>
      %dma_wait3A_231 = arith.constant 0 : i32
      %dma_wait3A_232 = arith.constant 0 : i32
      %dma_wait3A_233 = tpu.memref_slice %arg3[%dma_wait3A_231, %dma_wait3A_232] : memref<1000000x128xf32, #tpu.memory_space<hbm>> -> memref<1000000x128xf32, #tpu.memory_space<hbm>>
      tpu.wait_indirect_dma semaphore(%arg7 : memref<!tpu.dma_semaphore, #tpu.memory_space<semaphore_mem>>) src(%dma_wait3A_233 : memref<1000000x128xf32, #tpu.memory_space<hbm>>) dst(%dma_wait3A_227 : memref<64x128xf32, #tpu.memory_space<vmem>>)
      %gt3A = arith.constant 0 : i32
      %gt3A_234 = arith.cmpi sgt, %scan3A_151, %gt3A : i32
      %convert_element_type3A = arith.extui %gt3A_234 : i1 to i32
      %cond3A = arith.constant 0 : i32
      %cond3A_235 = arith.cmpi ne, %convert_element_type3A, %cond3A : i32
      scf.if %cond3A_235 {
        %sub3A = arith.constant 1 : i32
        %sub3A_721 = arith.subi %mul3A_153, %sub3A : i32
        %mul3A_722 = arith.constant 5 : i32
        %mul3A_723 = arith.muli %sub3A_721, %mul3A_722 : i32
        %add3A_724 = arith.constant 0 : i32
        %add3A_725 = arith.addi %mul3A_723, %add3A_724 : i32
        %mul3A_726 = arith.constant 64 : i32
        %mul3A_727 = arith.muli %add3A_725, %mul3A_726 : i32
        %add3A_728 = arith.addi %mul3A_2, %mul3A_727 : i32
        %dma_wait3A_729 = arith.constant 1 : i32
        %dma_wait3A_730 = arith.constant 0 : i32
        %dma_wait3A_731 = arith.constant 0 : i32
        %dma_wait3A_732 = arith.constant 0 : i32
        %dma_wait3A_733 = tpu.memref_slice %arg6[%dma_wait3A_729, %dma_wait3A_730, %dma_wait3A_731, %dma_wait3A_732] : memref<2x5x64x128xf32, #tpu.memory_space<vmem>> -> memref<1x1x64x64xf32, #tpu.memory_space<vmem>>
        %dma_wait3A_734 = tpu.memref_squeeze %dma_wait3A_733 : memref<1x1x64x64xf32, #tpu.memory_space<vmem>> -> memref<64x64xf32, #tpu.memory_space<vmem>>
        %dma_wait3A_735 = arith.constant 0 : i32
        %dma_wait3A_736 = tpu.memref_slice %arg4[%add3A_728, %dma_wait3A_735] : memref<204800x64xf32, #tpu.memory_space<hbm>> -> memref<64x64xf32, #tpu.memory_space<hbm>>
        %dma_wait3A_737 = arith.constant 0 : i32
        %dma_wait3A_738 = tpu.memref_slice %arg4[%add3A_728, %dma_wait3A_737] : memref<204800x64xf32, #tpu.memory_space<hbm>> -> memref<64x64xf32, #tpu.memory_space<hbm>>
        %dma_wait3A_739 = arith.constant 0 : i32
        %dma_wait3A_740 = arith.constant 0 : i32
        %dma_wait3A_741 = tpu.memref_slice %arg6[%dma_wait3A_729, %dma_wait3A_730, %dma_wait3A_739, %dma_wait3A_740] : memref<2x5x64x128xf32, #tpu.memory_space<vmem>> -> memref<1x1x64x64xf32, #tpu.memory_space<vmem>>
        %dma_wait3A_742 = tpu.memref_squeeze %dma_wait3A_741 : memref<1x1x64x64xf32, #tpu.memory_space<vmem>> -> memref<64x64xf32, #tpu.memory_space<vmem>>
        tpu.wait_dma2 semaphore(%arg10 : memref<!tpu.dma_semaphore, #tpu.memory_space<semaphore_mem>>) src(%dma_wait3A_742 : memref<64x64xf32, #tpu.memory_space<vmem>>) dst(%dma_wait3A_738 : memref<64x64xf32, #tpu.memory_space<hbm>>)
        %mul3A_743 = arith.constant 5 : i32
        %mul3A_744 = arith.muli %sub3A_721, %mul3A_743 : i32
        %add3A_745 = arith.constant 1 : i32
        %add3A_746 = arith.addi %mul3A_744, %add3A_745 : i32
        %mul3A_747 = arith.constant 64 : i32
        %mul3A_748 = arith.muli %add3A_746, %mul3A_747 : i32
        %add3A_749 = arith.addi %mul3A_2, %mul3A_748 : i32
        %dma_wait3A_750 = arith.constant 1 : i32
        %dma_wait3A_751 = arith.constant 1 : i32
        %dma_wait3A_752 = arith.constant 0 : i32
        %dma_wait3A_753 = arith.constant 0 : i32
        %dma_wait3A_754 = tpu.memref_slice %arg6[%dma_wait3A_750, %dma_wait3A_751, %dma_wait3A_752, %dma_wait3A_753] : memref<2x5x64x128xf32, #tpu.memory_space<vmem>> -> memref<1x1x64x64xf32, #tpu.memory_space<vmem>>
        %dma_wait3A_755 = tpu.memref_squeeze %dma_wait3A_754 : memref<1x1x64x64xf32, #tpu.memory_space<vmem>> -> memref<64x64xf32, #tpu.memory_space<vmem>>
        %dma_wait3A_756 = arith.constant 0 : i32
        %dma_wait3A_757 = tpu.memref_slice %arg4[%add3A_749, %dma_wait3A_756] : memref<204800x64xf32, #tpu.memory_space<hbm>> -> memref<64x64xf32, #tpu.memory_space<hbm>>
        %dma_wait3A_758 = arith.constant 0 : i32
        %dma_wait3A_759 = tpu.memref_slice %arg4[%add3A_749, %dma_wait3A_758] : memref<204800x64xf32, #tpu.memory_space<hbm>> -> memref<64x64xf32, #tpu.memory_space<hbm>>
        %dma_wait3A_760 = arith.constant 0 : i32
        %dma_wait3A_761 = arith.constant 0 : i32
        %dma_wait3A_762 = tpu.memref_slice %arg6[%dma_wait3A_750, %dma_wait3A_751, %dma_wait3A_760, %dma_wait3A_761] : memref<2x5x64x128xf32, #tpu.memory_space<vmem>> -> memref<1x1x64x64xf32, #tpu.memory_space<vmem>>
        %dma_wait3A_763 = tpu.memref_squeeze %dma_wait3A_762 : memref<1x1x64x64xf32, #tpu.memory_space<vmem>> -> memref<64x64xf32, #tpu.memory_space<vmem>>
        tpu.wait_dma2 semaphore(%arg10 : memref<!tpu.dma_semaphore, #tpu.memory_space<semaphore_mem>>) src(%dma_wait3A_763 : memref<64x64xf32, #tpu.memory_space<vmem>>) dst(%dma_wait3A_759 : memref<64x64xf32, #tpu.memory_space<hbm>>)
        %mul3A_764 = arith.constant 5 : i32
        %mul3A_765 = arith.muli %sub3A_721, %mul3A_764 : i32
        %add3A_766 = arith.constant 2 : i32
        %add3A_767 = arith.addi %mul3A_765, %add3A_766 : i32
        %mul3A_768 = arith.constant 64 : i32
        %mul3A_769 = arith.muli %add3A_767, %mul3A_768 : i32
        %add3A_770 = arith.addi %mul3A_2, %mul3A_769 : i32
        %dma_wait3A_771 = arith.constant 1 : i32
        %dma_wait3A_772 = arith.constant 2 : i32
        %dma_wait3A_773 = arith.constant 0 : i32
        %dma_wait3A_774 = arith.constant 0 : i32
        %dma_wait3A_775 = tpu.memref_slice %arg6[%dma_wait3A_771, %dma_wait3A_772, %dma_wait3A_773, %dma_wait3A_774] : memref<2x5x64x128xf32, #tpu.memory_space<vmem>> -> memref<1x1x64x64xf32, #tpu.memory_space<vmem>>
        %dma_wait3A_776 = tpu.memref_squeeze %dma_wait3A_775 : memref<1x1x64x64xf32, #tpu.memory_space<vmem>> -> memref<64x64xf32, #tpu.memory_space<vmem>>
        %dma_wait3A_777 = arith.constant 0 : i32
        %dma_wait3A_778 = tpu.memref_slice %arg4[%add3A_770, %dma_wait3A_777] : memref<204800x64xf32, #tpu.memory_space<hbm>> -> memref<64x64xf32, #tpu.memory_space<hbm>>
        %dma_wait3A_779 = arith.constant 0 : i32
        %dma_wait3A_780 = tpu.memref_slice %arg4[%add3A_770, %dma_wait3A_779] : memref<204800x64xf32, #tpu.memory_space<hbm>> -> memref<64x64xf32, #tpu.memory_space<hbm>>
        %dma_wait3A_781 = arith.constant 0 : i32
        %dma_wait3A_782 = arith.constant 0 : i32
        %dma_wait3A_783 = tpu.memref_slice %arg6[%dma_wait3A_771, %dma_wait3A_772, %dma_wait3A_781, %dma_wait3A_782] : memref<2x5x64x128xf32, #tpu.memory_space<vmem>> -> memref<1x1x64x64xf32, #tpu.memory_space<vmem>>
        %dma_wait3A_784 = tpu.memref_squeeze %dma_wait3A_783 : memref<1x1x64x64xf32, #tpu.memory_space<vmem>> -> memref<64x64xf32, #tpu.memory_space<vmem>>
        tpu.wait_dma2 semaphore(%arg10 : memref<!tpu.dma_semaphore, #tpu.memory_space<semaphore_mem>>) src(%dma_wait3A_784 : memref<64x64xf32, #tpu.memory_space<vmem>>) dst(%dma_wait3A_780 : memref<64x64xf32, #tpu.memory_space<hbm>>)
        %mul3A_785 = arith.constant 5 : i32
        %mul3A_786 = arith.muli %sub3A_721, %mul3A_785 : i32
        %add3A_787 = arith.constant 3 : i32
        %add3A_788 = arith.addi %mul3A_786, %add3A_787 : i32
        %mul3A_789 = arith.constant 64 : i32
        %mul3A_790 = arith.muli %add3A_788, %mul3A_789 : i32
        %add3A_791 = arith.addi %mul3A_2, %mul3A_790 : i32
        %dma_wait3A_792 = arith.constant 1 : i32
        %dma_wait3A_793 = arith.constant 3 : i32
        %dma_wait3A_794 = arith.constant 0 : i32
        %dma_wait3A_795 = arith.constant 0 : i32
        %dma_wait3A_796 = tpu.memref_slice %arg6[%dma_wait3A_792, %dma_wait3A_793, %dma_wait3A_794, %dma_wait3A_795] : memref<2x5x64x128xf32, #tpu.memory_space<vmem>> -> memref<1x1x64x64xf32, #tpu.memory_space<vmem>>
        %dma_wait3A_797 = tpu.memref_squeeze %dma_wait3A_796 : memref<1x1x64x64xf32, #tpu.memory_space<vmem>> -> memref<64x64xf32, #tpu.memory_space<vmem>>
        %dma_wait3A_798 = arith.constant 0 : i32
        %dma_wait3A_799 = tpu.memref_slice %arg4[%add3A_791, %dma_wait3A_798] : memref<204800x64xf32, #tpu.memory_space<hbm>> -> memref<64x64xf32, #tpu.memory_space<hbm>>
        %dma_wait3A_800 = arith.constant 0 : i32
        %dma_wait3A_801 = tpu.memref_slice %arg4[%add3A_791, %dma_wait3A_800] : memref<204800x64xf32, #tpu.memory_space<hbm>> -> memref<64x64xf32, #tpu.memory_space<hbm>>
        %dma_wait3A_802 = arith.constant 0 : i32
        %dma_wait3A_803 = arith.constant 0 : i32
        %dma_wait3A_804 = tpu.memref_slice %arg6[%dma_wait3A_792, %dma_wait3A_793, %dma_wait3A_802, %dma_wait3A_803] : memref<2x5x64x128xf32, #tpu.memory_space<vmem>> -> memref<1x1x64x64xf32, #tpu.memory_space<vmem>>
        %dma_wait3A_805 = tpu.memref_squeeze %dma_wait3A_804 : memref<1x1x64x64xf32, #tpu.memory_space<vmem>> -> memref<64x64xf32, #tpu.memory_space<vmem>>
        tpu.wait_dma2 semaphore(%arg10 : memref<!tpu.dma_semaphore, #tpu.memory_space<semaphore_mem>>) src(%dma_wait3A_805 : memref<64x64xf32, #tpu.memory_space<vmem>>) dst(%dma_wait3A_801 : memref<64x64xf32, #tpu.memory_space<hbm>>)
        %mul3A_806 = arith.constant 5 : i32
        %mul3A_807 = arith.muli %sub3A_721, %mul3A_806 : i32
        %add3A_808 = arith.constant 4 : i32
        %add3A_809 = arith.addi %mul3A_807, %add3A_808 : i32
        %mul3A_810 = arith.constant 64 : i32
        %mul3A_811 = arith.muli %add3A_809, %mul3A_810 : i32
        %add3A_812 = arith.addi %mul3A_2, %mul3A_811 : i32
        %dma_wait3A_813 = arith.constant 1 : i32
        %dma_wait3A_814 = arith.constant 4 : i32
        %dma_wait3A_815 = arith.constant 0 : i32
        %dma_wait3A_816 = arith.constant 0 : i32
        %dma_wait3A_817 = tpu.memref_slice %arg6[%dma_wait3A_813, %dma_wait3A_814, %dma_wait3A_815, %dma_wait3A_816] : memref<2x5x64x128xf32, #tpu.memory_space<vmem>> -> memref<1x1x64x64xf32, #tpu.memory_space<vmem>>
        %dma_wait3A_818 = tpu.memref_squeeze %dma_wait3A_817 : memref<1x1x64x64xf32, #tpu.memory_space<vmem>> -> memref<64x64xf32, #tpu.memory_space<vmem>>
        %dma_wait3A_819 = arith.constant 0 : i32
        %dma_wait3A_820 = tpu.memref_slice %arg4[%add3A_812, %dma_wait3A_819] : memref<204800x64xf32, #tpu.memory_space<hbm>> -> memref<64x64xf32, #tpu.memory_space<hbm>>
        %dma_wait3A_821 = arith.constant 0 : i32
        %dma_wait3A_822 = tpu.memref_slice %arg4[%add3A_812, %dma_wait3A_821] : memref<204800x64xf32, #tpu.memory_space<hbm>> -> memref<64x64xf32, #tpu.memory_space<hbm>>
        %dma_wait3A_823 = arith.constant 0 : i32
        %dma_wait3A_824 = arith.constant 0 : i32
        %dma_wait3A_825 = tpu.memref_slice %arg6[%dma_wait3A_813, %dma_wait3A_814, %dma_wait3A_823, %dma_wait3A_824] : memref<2x5x64x128xf32, #tpu.memory_space<vmem>> -> memref<1x1x64x64xf32, #tpu.memory_space<vmem>>
        %dma_wait3A_826 = tpu.memref_squeeze %dma_wait3A_825 : memref<1x1x64x64xf32, #tpu.memory_space<vmem>> -> memref<64x64xf32, #tpu.memory_space<vmem>>
        tpu.wait_dma2 semaphore(%arg10 : memref<!tpu.dma_semaphore, #tpu.memory_space<semaphore_mem>>) src(%dma_wait3A_826 : memref<64x64xf32, #tpu.memory_space<vmem>>) dst(%dma_wait3A_822 : memref<64x64xf32, #tpu.memory_space<hbm>>)
      } else {
      }
      %add3A_236 = arith.constant 1 : i32
      %add3A_237 = arith.addi %mul3A_153, %add3A_236 : i32
      %mul3A_238 = arith.constant 5 : i32
      %mul3A_239 = arith.muli %add3A_237, %mul3A_238 : i32
      %add3A_240 = arith.constant 0 : i32
      %add3A_241 = arith.addi %mul3A_239, %add3A_240 : i32
      %dma_start3A_242 = arith.constant 1 : i32
      %dma_start3A_243 = arith.constant 0 : i32
      %dma_start3A_244 = arith.constant 0 : i32
      %dma_start3A_245 = arith.constant 0 : i32
      %dma_start3A_246 = tpu.memref_slice %arg6[%dma_start3A_242, %dma_start3A_243, %dma_start3A_244, %dma_start3A_245] : memref<2x5x64x128xf32, #tpu.memory_space<vmem>> -> memref<1x1x64x128xf32, #tpu.memory_space<vmem>>
      %dma_start3A_247 = tpu.memref_squeeze %dma_start3A_246 : memref<1x1x64x128xf32, #tpu.memory_space<vmem>> -> memref<64x128xf32, #tpu.memory_space<vmem>>
      %dma_start3A_248 = arith.constant 0 : i32
      %dma_start3A_249 = tpu.memref_slice %arg5[%add3A_241, %dma_start3A_248] : memref<100x64xi32, #tpu.memory_space<vmem>> -> memref<1x64xi32, #tpu.memory_space<vmem>>
      %dma_start3A_250 = tpu.memref_squeeze %dma_start3A_249 : memref<1x64xi32, #tpu.memory_space<vmem>> -> memref<64xi32, #tpu.memory_space<vmem>>
      %dma_start3A_251 = arith.constant 0 : i32
      %dma_start3A_252 = arith.constant 0 : i32
      %dma_start3A_253 = tpu.memref_slice %arg3[%dma_start3A_251, %dma_start3A_252] : memref<1000000x128xf32, #tpu.memory_space<hbm>> -> memref<1000000x128xf32, #tpu.memory_space<hbm>>
      tpu.enqueue_indirect_dma source(%dma_start3A_253 : memref<1000000x128xf32, #tpu.memory_space<hbm>>) target(%dma_start3A_247 : memref<64x128xf32, #tpu.memory_space<vmem>>) offsets(%dma_start3A_250 : memref<64xi32, #tpu.memory_space<vmem>>) semaphore(%arg8 : memref<!tpu.dma_semaphore, #tpu.memory_space<semaphore_mem>>)
      %mul3A_254 = arith.constant 5 : i32
      %mul3A_255 = arith.muli %add3A_237, %mul3A_254 : i32
      %add3A_256 = arith.constant 1 : i32
      %add3A_257 = arith.addi %mul3A_255, %add3A_256 : i32
      %dma_start3A_258 = arith.constant 1 : i32
      %dma_start3A_259 = arith.constant 1 : i32
      %dma_start3A_260 = arith.constant 0 : i32
      %dma_start3A_261 = arith.constant 0 : i32
      %dma_start3A_262 = tpu.memref_slice %arg6[%dma_start3A_258, %dma_start3A_259, %dma_start3A_260, %dma_start3A_261] : memref<2x5x64x128xf32, #tpu.memory_space<vmem>> -> memref<1x1x64x128xf32, #tpu.memory_space<vmem>>
      %dma_start3A_263 = tpu.memref_squeeze %dma_start3A_262 : memref<1x1x64x128xf32, #tpu.memory_space<vmem>> -> memref<64x128xf32, #tpu.memory_space<vmem>>
      %dma_start3A_264 = arith.constant 0 : i32
      %dma_start3A_265 = tpu.memref_slice %arg5[%add3A_257, %dma_start3A_264] : memref<100x64xi32, #tpu.memory_space<vmem>> -> memref<1x64xi32, #tpu.memory_space<vmem>>
      %dma_start3A_266 = tpu.memref_squeeze %dma_start3A_265 : memref<1x64xi32, #tpu.memory_space<vmem>> -> memref<64xi32, #tpu.memory_space<vmem>>
      %dma_start3A_267 = arith.constant 0 : i32
      %dma_start3A_268 = arith.constant 0 : i32
      %dma_start3A_269 = tpu.memref_slice %arg3[%dma_start3A_267, %dma_start3A_268] : memref<1000000x128xf32, #tpu.memory_space<hbm>> -> memref<1000000x128xf32, #tpu.memory_space<hbm>>
      tpu.enqueue_indirect_dma source(%dma_start3A_269 : memref<1000000x128xf32, #tpu.memory_space<hbm>>) target(%dma_start3A_263 : memref<64x128xf32, #tpu.memory_space<vmem>>) offsets(%dma_start3A_266 : memref<64xi32, #tpu.memory_space<vmem>>) semaphore(%arg8 : memref<!tpu.dma_semaphore, #tpu.memory_space<semaphore_mem>>)
      %mul3A_270 = arith.constant 5 : i32
      %mul3A_271 = arith.muli %add3A_237, %mul3A_270 : i32
      %add3A_272 = arith.constant 2 : i32
      %add3A_273 = arith.addi %mul3A_271, %add3A_272 : i32
      %dma_start3A_274 = arith.constant 1 : i32
      %dma_start3A_275 = arith.constant 2 : i32
      %dma_start3A_276 = arith.constant 0 : i32
      %dma_start3A_277 = arith.constant 0 : i32
      %dma_start3A_278 = tpu.memref_slice %arg6[%dma_start3A_274, %dma_start3A_275, %dma_start3A_276, %dma_start3A_277] : memref<2x5x64x128xf32, #tpu.memory_space<vmem>> -> memref<1x1x64x128xf32, #tpu.memory_space<vmem>>
      %dma_start3A_279 = tpu.memref_squeeze %dma_start3A_278 : memref<1x1x64x128xf32, #tpu.memory_space<vmem>> -> memref<64x128xf32, #tpu.memory_space<vmem>>
      %dma_start3A_280 = arith.constant 0 : i32
      %dma_start3A_281 = tpu.memref_slice %arg5[%add3A_273, %dma_start3A_280] : memref<100x64xi32, #tpu.memory_space<vmem>> -> memref<1x64xi32, #tpu.memory_space<vmem>>
      %dma_start3A_282 = tpu.memref_squeeze %dma_start3A_281 : memref<1x64xi32, #tpu.memory_space<vmem>> -> memref<64xi32, #tpu.memory_space<vmem>>
      %dma_start3A_283 = arith.constant 0 : i32
      %dma_start3A_284 = arith.constant 0 : i32
      %dma_start3A_285 = tpu.memref_slice %arg3[%dma_start3A_283, %dma_start3A_284] : memref<1000000x128xf32, #tpu.memory_space<hbm>> -> memref<1000000x128xf32, #tpu.memory_space<hbm>>
      tpu.enqueue_indirect_dma source(%dma_start3A_285 : memref<1000000x128xf32, #tpu.memory_space<hbm>>) target(%dma_start3A_279 : memref<64x128xf32, #tpu.memory_space<vmem>>) offsets(%dma_start3A_282 : memref<64xi32, #tpu.memory_space<vmem>>) semaphore(%arg8 : memref<!tpu.dma_semaphore, #tpu.memory_space<semaphore_mem>>)
      %mul3A_286 = arith.constant 5 : i32
      %mul3A_287 = arith.muli %add3A_237, %mul3A_286 : i32
      %add3A_288 = arith.constant 3 : i32
      %add3A_289 = arith.addi %mul3A_287, %add3A_288 : i32
      %dma_start3A_290 = arith.constant 1 : i32
      %dma_start3A_291 = arith.constant 3 : i32
      %dma_start3A_292 = arith.constant 0 : i32
      %dma_start3A_293 = arith.constant 0 : i32
      %dma_start3A_294 = tpu.memref_slice %arg6[%dma_start3A_290, %dma_start3A_291, %dma_start3A_292, %dma_start3A_293] : memref<2x5x64x128xf32, #tpu.memory_space<vmem>> -> memref<1x1x64x128xf32, #tpu.memory_space<vmem>>
      %dma_start3A_295 = tpu.memref_squeeze %dma_start3A_294 : memref<1x1x64x128xf32, #tpu.memory_space<vmem>> -> memref<64x128xf32, #tpu.memory_space<vmem>>
      %dma_start3A_296 = arith.constant 0 : i32
      %dma_start3A_297 = tpu.memref_slice %arg5[%add3A_289, %dma_start3A_296] : memref<100x64xi32, #tpu.memory_space<vmem>> -> memref<1x64xi32, #tpu.memory_space<vmem>>
      %dma_start3A_298 = tpu.memref_squeeze %dma_start3A_297 : memref<1x64xi32, #tpu.memory_space<vmem>> -> memref<64xi32, #tpu.memory_space<vmem>>
      %dma_start3A_299 = arith.constant 0 : i32
      %dma_start3A_300 = arith.constant 0 : i32
      %dma_start3A_301 = tpu.memref_slice %arg3[%dma_start3A_299, %dma_start3A_300] : memref<1000000x128xf32, #tpu.memory_space<hbm>> -> memref<1000000x128xf32, #tpu.memory_space<hbm>>
      tpu.enqueue_indirect_dma source(%dma_start3A_301 : memref<1000000x128xf32, #tpu.memory_space<hbm>>) target(%dma_start3A_295 : memref<64x128xf32, #tpu.memory_space<vmem>>) offsets(%dma_start3A_298 : memref<64xi32, #tpu.memory_space<vmem>>) semaphore(%arg8 : memref<!tpu.dma_semaphore, #tpu.memory_space<semaphore_mem>>)
      %mul3A_302 = arith.constant 5 : i32
      %mul3A_303 = arith.muli %add3A_237, %mul3A_302 : i32
      %add3A_304 = arith.constant 4 : i32
      %add3A_305 = arith.addi %mul3A_303, %add3A_304 : i32
      %dma_start3A_306 = arith.constant 1 : i32
      %dma_start3A_307 = arith.constant 4 : i32
      %dma_start3A_308 = arith.constant 0 : i32
      %dma_start3A_309 = arith.constant 0 : i32
      %dma_start3A_310 = tpu.memref_slice %arg6[%dma_start3A_306, %dma_start3A_307, %dma_start3A_308, %dma_start3A_309] : memref<2x5x64x128xf32, #tpu.memory_space<vmem>> -> memref<1x1x64x128xf32, #tpu.memory_space<vmem>>
      %dma_start3A_311 = tpu.memref_squeeze %dma_start3A_310 : memref<1x1x64x128xf32, #tpu.memory_space<vmem>> -> memref<64x128xf32, #tpu.memory_space<vmem>>
      %dma_start3A_312 = arith.constant 0 : i32
      %dma_start3A_313 = tpu.memref_slice %arg5[%add3A_305, %dma_start3A_312] : memref<100x64xi32, #tpu.memory_space<vmem>> -> memref<1x64xi32, #tpu.memory_space<vmem>>
      %dma_start3A_314 = tpu.memref_squeeze %dma_start3A_313 : memref<1x64xi32, #tpu.memory_space<vmem>> -> memref<64xi32, #tpu.memory_space<vmem>>
      %dma_start3A_315 = arith.constant 0 : i32
      %dma_start3A_316 = arith.constant 0 : i32
      %dma_start3A_317 = tpu.memref_slice %arg3[%dma_start3A_315, %dma_start3A_316] : memref<1000000x128xf32, #tpu.memory_space<hbm>> -> memref<1000000x128xf32, #tpu.memory_space<hbm>>
      tpu.enqueue_indirect_dma source(%dma_start3A_317 : memref<1000000x128xf32, #tpu.memory_space<hbm>>) target(%dma_start3A_311 : memref<64x128xf32, #tpu.memory_space<vmem>>) offsets(%dma_start3A_314 : memref<64xi32, #tpu.memory_space<vmem>>) semaphore(%arg8 : memref<!tpu.dma_semaphore, #tpu.memory_space<semaphore_mem>>)
      %mul3A_318 = arith.constant 5 : i32
      %mul3A_319 = arith.muli %mul3A_153, %mul3A_318 : i32
      %add3A_320 = arith.constant 0 : i32
      %add3A_321 = arith.addi %mul3A_319, %add3A_320 : i32
      %mul3A_322 = arith.constant 64 : i32
      %mul3A_323 = arith.muli %add3A_321, %mul3A_322 : i32
      %add3A_324 = arith.addi %mul3A_2, %mul3A_323 : i32
      %dma_start3A_325 = arith.constant 0 : i32
      %dma_start3A_326 = arith.constant 0 : i32
      %dma_start3A_327 = arith.constant 0 : i32
      %dma_start3A_328 = arith.constant 0 : i32
      %dma_start3A_329 = tpu.memref_slice %arg6[%dma_start3A_325, %dma_start3A_326, %dma_start3A_327, %dma_start3A_328] : memref<2x5x64x128xf32, #tpu.memory_space<vmem>> -> memref<1x1x64x64xf32, #tpu.memory_space<vmem>>
      %dma_start3A_330 = tpu.memref_squeeze %dma_start3A_329 : memref<1x1x64x64xf32, #tpu.memory_space<vmem>> -> memref<64x64xf32, #tpu.memory_space<vmem>>
      %dma_start3A_331 = arith.constant 0 : i32
      %dma_start3A_332 = tpu.memref_slice %arg4[%add3A_324, %dma_start3A_331] : memref<204800x64xf32, #tpu.memory_space<hbm>> -> memref<64x64xf32, #tpu.memory_space<hbm>>
      %dma_start3A_333 = arith.constant 0 : i32
      %dma_start3A_334 = tpu.memref_slice %arg4[%add3A_324, %dma_start3A_333] : memref<204800x64xf32, #tpu.memory_space<hbm>> -> memref<64x64xf32, #tpu.memory_space<hbm>>
      %dma_start3A_335 = arith.constant 0 : i32
      %dma_start3A_336 = arith.constant 0 : i32
      %dma_start3A_337 = tpu.memref_slice %arg6[%dma_start3A_325, %dma_start3A_326, %dma_start3A_335, %dma_start3A_336] : memref<2x5x64x128xf32, #tpu.memory_space<vmem>> -> memref<1x1x64x64xf32, #tpu.memory_space<vmem>>
      %dma_start3A_338 = tpu.memref_squeeze %dma_start3A_337 : memref<1x1x64x64xf32, #tpu.memory_space<vmem>> -> memref<64x64xf32, #tpu.memory_space<vmem>>
      tpu.enqueue_dma source(%dma_start3A_338 : memref<64x64xf32, #tpu.memory_space<vmem>>) target(%dma_start3A_334 : memref<64x64xf32, #tpu.memory_space<hbm>>) target_semaphore(%arg9 : memref<!tpu.dma_semaphore, #tpu.memory_space<semaphore_mem>>)
      %mul3A_339 = arith.constant 5 : i32
      %mul3A_340 = arith.muli %mul3A_153, %mul3A_339 : i32
      %add3A_341 = arith.constant 1 : i32
      %add3A_342 = arith.addi %mul3A_340, %add3A_341 : i32
      %mul3A_343 = arith.constant 64 : i32
      %mul3A_344 = arith.muli %add3A_342, %mul3A_343 : i32
      %add3A_345 = arith.addi %mul3A_2, %mul3A_344 : i32
      %dma_start3A_346 = arith.constant 0 : i32
      %dma_start3A_347 = arith.constant 1 : i32
      %dma_start3A_348 = arith.constant 0 : i32
      %dma_start3A_349 = arith.constant 0 : i32
      %dma_start3A_350 = tpu.memref_slice %arg6[%dma_start3A_346, %dma_start3A_347, %dma_start3A_348, %dma_start3A_349] : memref<2x5x64x128xf32, #tpu.memory_space<vmem>> -> memref<1x1x64x64xf32, #tpu.memory_space<vmem>>
      %dma_start3A_351 = tpu.memref_squeeze %dma_start3A_350 : memref<1x1x64x64xf32, #tpu.memory_space<vmem>> -> memref<64x64xf32, #tpu.memory_space<vmem>>
      %dma_start3A_352 = arith.constant 0 : i32
      %dma_start3A_353 = tpu.memref_slice %arg4[%add3A_345, %dma_start3A_352] : memref<204800x64xf32, #tpu.memory_space<hbm>> -> memref<64x64xf32, #tpu.memory_space<hbm>>
      %dma_start3A_354 = arith.constant 0 : i32
      %dma_start3A_355 = tpu.memref_slice %arg4[%add3A_345, %dma_start3A_354] : memref<204800x64xf32, #tpu.memory_space<hbm>> -> memref<64x64xf32, #tpu.memory_space<hbm>>
      %dma_start3A_356 = arith.constant 0 : i32
      %dma_start3A_357 = arith.constant 0 : i32
      %dma_start3A_358 = tpu.memref_slice %arg6[%dma_start3A_346, %dma_start3A_347, %dma_start3A_356, %dma_start3A_357] : memref<2x5x64x128xf32, #tpu.memory_space<vmem>> -> memref<1x1x64x64xf32, #tpu.memory_space<vmem>>
      %dma_start3A_359 = tpu.memref_squeeze %dma_start3A_358 : memref<1x1x64x64xf32, #tpu.memory_space<vmem>> -> memref<64x64xf32, #tpu.memory_space<vmem>>
      tpu.enqueue_dma source(%dma_start3A_359 : memref<64x64xf32, #tpu.memory_space<vmem>>) target(%dma_start3A_355 : memref<64x64xf32, #tpu.memory_space<hbm>>) target_semaphore(%arg9 : memref<!tpu.dma_semaphore, #tpu.memory_space<semaphore_mem>>)
      %mul3A_360 = arith.constant 5 : i32
      %mul3A_361 = arith.muli %mul3A_153, %mul3A_360 : i32
      %add3A_362 = arith.constant 2 : i32
      %add3A_363 = arith.addi %mul3A_361, %add3A_362 : i32
      %mul3A_364 = arith.constant 64 : i32
      %mul3A_365 = arith.muli %add3A_363, %mul3A_364 : i32
      %add3A_366 = arith.addi %mul3A_2, %mul3A_365 : i32
      %dma_start3A_367 = arith.constant 0 : i32
      %dma_start3A_368 = arith.constant 2 : i32
      %dma_start3A_369 = arith.constant 0 : i32
      %dma_start3A_370 = arith.constant 0 : i32
      %dma_start3A_371 = tpu.memref_slice %arg6[%dma_start3A_367, %dma_start3A_368, %dma_start3A_369, %dma_start3A_370] : memref<2x5x64x128xf32, #tpu.memory_space<vmem>> -> memref<1x1x64x64xf32, #tpu.memory_space<vmem>>
      %dma_start3A_372 = tpu.memref_squeeze %dma_start3A_371 : memref<1x1x64x64xf32, #tpu.memory_space<vmem>> -> memref<64x64xf32, #tpu.memory_space<vmem>>
      %dma_start3A_373 = arith.constant 0 : i32
      %dma_start3A_374 = tpu.memref_slice %arg4[%add3A_366, %dma_start3A_373] : memref<204800x64xf32, #tpu.memory_space<hbm>> -> memref<64x64xf32, #tpu.memory_space<hbm>>
      %dma_start3A_375 = arith.constant 0 : i32
      %dma_start3A_376 = tpu.memref_slice %arg4[%add3A_366, %dma_start3A_375] : memref<204800x64xf32, #tpu.memory_space<hbm>> -> memref<64x64xf32, #tpu.memory_space<hbm>>
      %dma_start3A_377 = arith.constant 0 : i32
      %dma_start3A_378 = arith.constant 0 : i32
      %dma_start3A_379 = tpu.memref_slice %arg6[%dma_start3A_367, %dma_start3A_368, %dma_start3A_377, %dma_start3A_378] : memref<2x5x64x128xf32, #tpu.memory_space<vmem>> -> memref<1x1x64x64xf32, #tpu.memory_space<vmem>>
      %dma_start3A_380 = tpu.memref_squeeze %dma_start3A_379 : memref<1x1x64x64xf32, #tpu.memory_space<vmem>> -> memref<64x64xf32, #tpu.memory_space<vmem>>
      tpu.enqueue_dma source(%dma_start3A_380 : memref<64x64xf32, #tpu.memory_space<vmem>>) target(%dma_start3A_376 : memref<64x64xf32, #tpu.memory_space<hbm>>) target_semaphore(%arg9 : memref<!tpu.dma_semaphore, #tpu.memory_space<semaphore_mem>>)
      %mul3A_381 = arith.constant 5 : i32
      %mul3A_382 = arith.muli %mul3A_153, %mul3A_381 : i32
      %add3A_383 = arith.constant 3 : i32
      %add3A_384 = arith.addi %mul3A_382, %add3A_383 : i32
      %mul3A_385 = arith.constant 64 : i32
      %mul3A_386 = arith.muli %add3A_384, %mul3A_385 : i32
      %add3A_387 = arith.addi %mul3A_2, %mul3A_386 : i32
      %dma_start3A_388 = arith.constant 0 : i32
      %dma_start3A_389 = arith.constant 3 : i32
      %dma_start3A_390 = arith.constant 0 : i32
      %dma_start3A_391 = arith.constant 0 : i32
      %dma_start3A_392 = tpu.memref_slice %arg6[%dma_start3A_388, %dma_start3A_389, %dma_start3A_390, %dma_start3A_391] : memref<2x5x64x128xf32, #tpu.memory_space<vmem>> -> memref<1x1x64x64xf32, #tpu.memory_space<vmem>>
      %dma_start3A_393 = tpu.memref_squeeze %dma_start3A_392 : memref<1x1x64x64xf32, #tpu.memory_space<vmem>> -> memref<64x64xf32, #tpu.memory_space<vmem>>
      %dma_start3A_394 = arith.constant 0 : i32
      %dma_start3A_395 = tpu.memref_slice %arg4[%add3A_387, %dma_start3A_394] : memref<204800x64xf32, #tpu.memory_space<hbm>> -> memref<64x64xf32, #tpu.memory_space<hbm>>
      %dma_start3A_396 = arith.constant 0 : i32
      %dma_start3A_397 = tpu.memref_slice %arg4[%add3A_387, %dma_start3A_396] : memref<204800x64xf32, #tpu.memory_space<hbm>> -> memref<64x64xf32, #tpu.memory_space<hbm>>
      %dma_start3A_398 = arith.constant 0 : i32
      %dma_start3A_399 = arith.constant 0 : i32
      %dma_start3A_400 = tpu.memref_slice %arg6[%dma_start3A_388, %dma_start3A_389, %dma_start3A_398, %dma_start3A_399] : memref<2x5x64x128xf32, #tpu.memory_space<vmem>> -> memref<1x1x64x64xf32, #tpu.memory_space<vmem>>
      %dma_start3A_401 = tpu.memref_squeeze %dma_start3A_400 : memref<1x1x64x64xf32, #tpu.memory_space<vmem>> -> memref<64x64xf32, #tpu.memory_space<vmem>>
      tpu.enqueue_dma source(%dma_start3A_401 : memref<64x64xf32, #tpu.memory_space<vmem>>) target(%dma_start3A_397 : memref<64x64xf32, #tpu.memory_space<hbm>>) target_semaphore(%arg9 : memref<!tpu.dma_semaphore, #tpu.memory_space<semaphore_mem>>)
      %mul3A_402 = arith.constant 5 : i32
      %mul3A_403 = arith.muli %mul3A_153, %mul3A_402 : i32
      %add3A_404 = arith.constant 4 : i32
      %add3A_405 = arith.addi %mul3A_403, %add3A_404 : i32
      %mul3A_406 = arith.constant 64 : i32
      %mul3A_407 = arith.muli %add3A_405, %mul3A_406 : i32
      %add3A_408 = arith.addi %mul3A_2, %mul3A_407 : i32
      %dma_start3A_409 = arith.constant 0 : i32
      %dma_start3A_410 = arith.constant 4 : i32
      %dma_start3A_411 = arith.constant 0 : i32
      %dma_start3A_412 = arith.constant 0 : i32
      %dma_start3A_413 = tpu.memref_slice %arg6[%dma_start3A_409, %dma_start3A_410, %dma_start3A_411, %dma_start3A_412] : memref<2x5x64x128xf32, #tpu.memory_space<vmem>> -> memref<1x1x64x64xf32, #tpu.memory_space<vmem>>
      %dma_start3A_414 = tpu.memref_squeeze %dma_start3A_413 : memref<1x1x64x64xf32, #tpu.memory_space<vmem>> -> memref<64x64xf32, #tpu.memory_space<vmem>>
      %dma_start3A_415 = arith.constant 0 : i32
      %dma_start3A_416 = tpu.memref_slice %arg4[%add3A_408, %dma_start3A_415] : memref<204800x64xf32, #tpu.memory_space<hbm>> -> memref<64x64xf32, #tpu.memory_space<hbm>>
      %dma_start3A_417 = arith.constant 0 : i32
      %dma_start3A_418 = tpu.memref_slice %arg4[%add3A_408, %dma_start3A_417] : memref<204800x64xf32, #tpu.memory_space<hbm>> -> memref<64x64xf32, #tpu.memory_space<hbm>>
      %dma_start3A_419 = arith.constant 0 : i32
      %dma_start3A_420 = arith.constant 0 : i32
      %dma_start3A_421 = tpu.memref_slice %arg6[%dma_start3A_409, %dma_start3A_410, %dma_start3A_419, %dma_start3A_420] : memref<2x5x64x128xf32, #tpu.memory_space<vmem>> -> memref<1x1x64x64xf32, #tpu.memory_space<vmem>>
      %dma_start3A_422 = tpu.memref_squeeze %dma_start3A_421 : memref<1x1x64x64xf32, #tpu.memory_space<vmem>> -> memref<64x64xf32, #tpu.memory_space<vmem>>
      tpu.enqueue_dma source(%dma_start3A_422 : memref<64x64xf32, #tpu.memory_space<vmem>>) target(%dma_start3A_418 : memref<64x64xf32, #tpu.memory_space<hbm>>) target_semaphore(%arg9 : memref<!tpu.dma_semaphore, #tpu.memory_space<semaphore_mem>>)
      %add3A_423 = arith.constant 1 : i32
      %add3A_424 = arith.addi %mul3A_153, %add3A_423 : i32
      %mul3A_425 = arith.constant 5 : i32
      %mul3A_426 = arith.muli %add3A_424, %mul3A_425 : i32
      %add3A_427 = arith.constant 0 : i32
      %add3A_428 = arith.addi %mul3A_426, %add3A_427 : i32
      %dma_wait3A_429 = arith.constant 1 : i32
      %dma_wait3A_430 = arith.constant 0 : i32
      %dma_wait3A_431 = arith.constant 0 : i32
      %dma_wait3A_432 = arith.constant 0 : i32
      %dma_wait3A_433 = tpu.memref_slice %arg6[%dma_wait3A_429, %dma_wait3A_430, %dma_wait3A_431, %dma_wait3A_432] : memref<2x5x64x128xf32, #tpu.memory_space<vmem>> -> memref<1x1x64x128xf32, #tpu.memory_space<vmem>>
      %dma_wait3A_434 = tpu.memref_squeeze %dma_wait3A_433 : memref<1x1x64x128xf32, #tpu.memory_space<vmem>> -> memref<64x128xf32, #tpu.memory_space<vmem>>
      %dma_wait3A_435 = arith.constant 0 : i32
      %dma_wait3A_436 = tpu.memref_slice %arg5[%add3A_428, %dma_wait3A_435] : memref<100x64xi32, #tpu.memory_space<vmem>> -> memref<1x64xi32, #tpu.memory_space<vmem>>
      %dma_wait3A_437 = tpu.memref_squeeze %dma_wait3A_436 : memref<1x64xi32, #tpu.memory_space<vmem>> -> memref<64xi32, #tpu.memory_space<vmem>>
      %dma_wait3A_438 = arith.constant 0 : i32
      %dma_wait3A_439 = arith.constant 0 : i32
      %dma_wait3A_440 = tpu.memref_slice %arg3[%dma_wait3A_438, %dma_wait3A_439] : memref<1000000x128xf32, #tpu.memory_space<hbm>> -> memref<1000000x128xf32, #tpu.memory_space<hbm>>
      tpu.wait_indirect_dma semaphore(%arg8 : memref<!tpu.dma_semaphore, #tpu.memory_space<semaphore_mem>>) src(%dma_wait3A_440 : memref<1000000x128xf32, #tpu.memory_space<hbm>>) dst(%dma_wait3A_434 : memref<64x128xf32, #tpu.memory_space<vmem>>)
      %mul3A_441 = arith.constant 5 : i32
      %mul3A_442 = arith.muli %add3A_424, %mul3A_441 : i32
      %add3A_443 = arith.constant 1 : i32
      %add3A_444 = arith.addi %mul3A_442, %add3A_443 : i32
      %dma_wait3A_445 = arith.constant 1 : i32
      %dma_wait3A_446 = arith.constant 1 : i32
      %dma_wait3A_447 = arith.constant 0 : i32
      %dma_wait3A_448 = arith.constant 0 : i32
      %dma_wait3A_449 = tpu.memref_slice %arg6[%dma_wait3A_445, %dma_wait3A_446, %dma_wait3A_447, %dma_wait3A_448] : memref<2x5x64x128xf32, #tpu.memory_space<vmem>> -> memref<1x1x64x128xf32, #tpu.memory_space<vmem>>
      %dma_wait3A_450 = tpu.memref_squeeze %dma_wait3A_449 : memref<1x1x64x128xf32, #tpu.memory_space<vmem>> -> memref<64x128xf32, #tpu.memory_space<vmem>>
      %dma_wait3A_451 = arith.constant 0 : i32
      %dma_wait3A_452 = tpu.memref_slice %arg5[%add3A_444, %dma_wait3A_451] : memref<100x64xi32, #tpu.memory_space<vmem>> -> memref<1x64xi32, #tpu.memory_space<vmem>>
      %dma_wait3A_453 = tpu.memref_squeeze %dma_wait3A_452 : memref<1x64xi32, #tpu.memory_space<vmem>> -> memref<64xi32, #tpu.memory_space<vmem>>
      %dma_wait3A_454 = arith.constant 0 : i32
      %dma_wait3A_455 = arith.constant 0 : i32
      %dma_wait3A_456 = tpu.memref_slice %arg3[%dma_wait3A_454, %dma_wait3A_455] : memref<1000000x128xf32, #tpu.memory_space<hbm>> -> memref<1000000x128xf32, #tpu.memory_space<hbm>>
      tpu.wait_indirect_dma semaphore(%arg8 : memref<!tpu.dma_semaphore, #tpu.memory_space<semaphore_mem>>) src(%dma_wait3A_456 : memref<1000000x128xf32, #tpu.memory_space<hbm>>) dst(%dma_wait3A_450 : memref<64x128xf32, #tpu.memory_space<vmem>>)
      %mul3A_457 = arith.constant 5 : i32
      %mul3A_458 = arith.muli %add3A_424, %mul3A_457 : i32
      %add3A_459 = arith.constant 2 : i32
      %add3A_460 = arith.addi %mul3A_458, %add3A_459 : i32
      %dma_wait3A_461 = arith.constant 1 : i32
      %dma_wait3A_462 = arith.constant 2 : i32
      %dma_wait3A_463 = arith.constant 0 : i32
      %dma_wait3A_464 = arith.constant 0 : i32
      %dma_wait3A_465 = tpu.memref_slice %arg6[%dma_wait3A_461, %dma_wait3A_462, %dma_wait3A_463, %dma_wait3A_464] : memref<2x5x64x128xf32, #tpu.memory_space<vmem>> -> memref<1x1x64x128xf32, #tpu.memory_space<vmem>>
      %dma_wait3A_466 = tpu.memref_squeeze %dma_wait3A_465 : memref<1x1x64x128xf32, #tpu.memory_space<vmem>> -> memref<64x128xf32, #tpu.memory_space<vmem>>
      %dma_wait3A_467 = arith.constant 0 : i32
      %dma_wait3A_468 = tpu.memref_slice %arg5[%add3A_460, %dma_wait3A_467] : memref<100x64xi32, #tpu.memory_space<vmem>> -> memref<1x64xi32, #tpu.memory_space<vmem>>
      %dma_wait3A_469 = tpu.memref_squeeze %dma_wait3A_468 : memref<1x64xi32, #tpu.memory_space<vmem>> -> memref<64xi32, #tpu.memory_space<vmem>>
      %dma_wait3A_470 = arith.constant 0 : i32
      %dma_wait3A_471 = arith.constant 0 : i32
      %dma_wait3A_472 = tpu.memref_slice %arg3[%dma_wait3A_470, %dma_wait3A_471] : memref<1000000x128xf32, #tpu.memory_space<hbm>> -> memref<1000000x128xf32, #tpu.memory_space<hbm>>
      tpu.wait_indirect_dma semaphore(%arg8 : memref<!tpu.dma_semaphore, #tpu.memory_space<semaphore_mem>>) src(%dma_wait3A_472 : memref<1000000x128xf32, #tpu.memory_space<hbm>>) dst(%dma_wait3A_466 : memref<64x128xf32, #tpu.memory_space<vmem>>)
      %mul3A_473 = arith.constant 5 : i32
      %mul3A_474 = arith.muli %add3A_424, %mul3A_473 : i32
      %add3A_475 = arith.constant 3 : i32
      %add3A_476 = arith.addi %mul3A_474, %add3A_475 : i32
      %dma_wait3A_477 = arith.constant 1 : i32
      %dma_wait3A_478 = arith.constant 3 : i32
      %dma_wait3A_479 = arith.constant 0 : i32
      %dma_wait3A_480 = arith.constant 0 : i32
      %dma_wait3A_481 = tpu.memref_slice %arg6[%dma_wait3A_477, %dma_wait3A_478, %dma_wait3A_479, %dma_wait3A_480] : memref<2x5x64x128xf32, #tpu.memory_space<vmem>> -> memref<1x1x64x128xf32, #tpu.memory_space<vmem>>
      %dma_wait3A_482 = tpu.memref_squeeze %dma_wait3A_481 : memref<1x1x64x128xf32, #tpu.memory_space<vmem>> -> memref<64x128xf32, #tpu.memory_space<vmem>>
      %dma_wait3A_483 = arith.constant 0 : i32
      %dma_wait3A_484 = tpu.memref_slice %arg5[%add3A_476, %dma_wait3A_483] : memref<100x64xi32, #tpu.memory_space<vmem>> -> memref<1x64xi32, #tpu.memory_space<vmem>>
      %dma_wait3A_485 = tpu.memref_squeeze %dma_wait3A_484 : memref<1x64xi32, #tpu.memory_space<vmem>> -> memref<64xi32, #tpu.memory_space<vmem>>
      %dma_wait3A_486 = arith.constant 0 : i32
      %dma_wait3A_487 = arith.constant 0 : i32
      %dma_wait3A_488 = tpu.memref_slice %arg3[%dma_wait3A_486, %dma_wait3A_487] : memref<1000000x128xf32, #tpu.memory_space<hbm>> -> memref<1000000x128xf32, #tpu.memory_space<hbm>>
      tpu.wait_indirect_dma semaphore(%arg8 : memref<!tpu.dma_semaphore, #tpu.memory_space<semaphore_mem>>) src(%dma_wait3A_488 : memref<1000000x128xf32, #tpu.memory_space<hbm>>) dst(%dma_wait3A_482 : memref<64x128xf32, #tpu.memory_space<vmem>>)
      %mul3A_489 = arith.constant 5 : i32
      %mul3A_490 = arith.muli %add3A_424, %mul3A_489 : i32
      %add3A_491 = arith.constant 4 : i32
      %add3A_492 = arith.addi %mul3A_490, %add3A_491 : i32
      %dma_wait3A_493 = arith.constant 1 : i32
      %dma_wait3A_494 = arith.constant 4 : i32
      %dma_wait3A_495 = arith.constant 0 : i32
      %dma_wait3A_496 = arith.constant 0 : i32
      %dma_wait3A_497 = tpu.memref_slice %arg6[%dma_wait3A_493, %dma_wait3A_494, %dma_wait3A_495, %dma_wait3A_496] : memref<2x5x64x128xf32, #tpu.memory_space<vmem>> -> memref<1x1x64x128xf32, #tpu.memory_space<vmem>>
      %dma_wait3A_498 = tpu.memref_squeeze %dma_wait3A_497 : memref<1x1x64x128xf32, #tpu.memory_space<vmem>> -> memref<64x128xf32, #tpu.memory_space<vmem>>
      %dma_wait3A_499 = arith.constant 0 : i32
      %dma_wait3A_500 = tpu.memref_slice %arg5[%add3A_492, %dma_wait3A_499] : memref<100x64xi32, #tpu.memory_space<vmem>> -> memref<1x64xi32, #tpu.memory_space<vmem>>
      %dma_wait3A_501 = tpu.memref_squeeze %dma_wait3A_500 : memref<1x64xi32, #tpu.memory_space<vmem>> -> memref<64xi32, #tpu.memory_space<vmem>>
      %dma_wait3A_502 = arith.constant 0 : i32
      %dma_wait3A_503 = arith.constant 0 : i32
      %dma_wait3A_504 = tpu.memref_slice %arg3[%dma_wait3A_502, %dma_wait3A_503] : memref<1000000x128xf32, #tpu.memory_space<hbm>> -> memref<1000000x128xf32, #tpu.memory_space<hbm>>
      tpu.wait_indirect_dma semaphore(%arg8 : memref<!tpu.dma_semaphore, #tpu.memory_space<semaphore_mem>>) src(%dma_wait3A_504 : memref<1000000x128xf32, #tpu.memory_space<hbm>>) dst(%dma_wait3A_498 : memref<64x128xf32, #tpu.memory_space<vmem>>)
      %mul3A_505 = arith.constant 5 : i32
      %mul3A_506 = arith.muli %mul3A_153, %mul3A_505 : i32
      %add3A_507 = arith.constant 0 : i32
      %add3A_508 = arith.addi %mul3A_506, %add3A_507 : i32
      %mul3A_509 = arith.constant 64 : i32
      %mul3A_510 = arith.muli %add3A_508, %mul3A_509 : i32
      %add3A_511 = arith.addi %mul3A_2, %mul3A_510 : i32
      %dma_wait3A_512 = arith.constant 0 : i32
      %dma_wait3A_513 = arith.constant 0 : i32
      %dma_wait3A_514 = arith.constant 0 : i32
      %dma_wait3A_515 = arith.constant 0 : i32
      %dma_wait3A_516 = tpu.memref_slice %arg6[%dma_wait3A_512, %dma_wait3A_513, %dma_wait3A_514, %dma_wait3A_515] : memref<2x5x64x128xf32, #tpu.memory_space<vmem>> -> memref<1x1x64x64xf32, #tpu.memory_space<vmem>>
      %dma_wait3A_517 = tpu.memref_squeeze %dma_wait3A_516 : memref<1x1x64x64xf32, #tpu.memory_space<vmem>> -> memref<64x64xf32, #tpu.memory_space<vmem>>
      %dma_wait3A_518 = arith.constant 0 : i32
      %dma_wait3A_519 = tpu.memref_slice %arg4[%add3A_511, %dma_wait3A_518] : memref<204800x64xf32, #tpu.memory_space<hbm>> -> memref<64x64xf32, #tpu.memory_space<hbm>>
      %dma_wait3A_520 = arith.constant 0 : i32
      %dma_wait3A_521 = tpu.memref_slice %arg4[%add3A_511, %dma_wait3A_520] : memref<204800x64xf32, #tpu.memory_space<hbm>> -> memref<64x64xf32, #tpu.memory_space<hbm>>
      %dma_wait3A_522 = arith.constant 0 : i32
      %dma_wait3A_523 = arith.constant 0 : i32
      %dma_wait3A_524 = tpu.memref_slice %arg6[%dma_wait3A_512, %dma_wait3A_513, %dma_wait3A_522, %dma_wait3A_523] : memref<2x5x64x128xf32, #tpu.memory_space<vmem>> -> memref<1x1x64x64xf32, #tpu.memory_space<vmem>>
      %dma_wait3A_525 = tpu.memref_squeeze %dma_wait3A_524 : memref<1x1x64x64xf32, #tpu.memory_space<vmem>> -> memref<64x64xf32, #tpu.memory_space<vmem>>
      tpu.wait_dma2 semaphore(%arg9 : memref<!tpu.dma_semaphore, #tpu.memory_space<semaphore_mem>>) src(%dma_wait3A_525 : memref<64x64xf32, #tpu.memory_space<vmem>>) dst(%dma_wait3A_521 : memref<64x64xf32, #tpu.memory_space<hbm>>)
      %mul3A_526 = arith.constant 5 : i32
      %mul3A_527 = arith.muli %mul3A_153, %mul3A_526 : i32
      %add3A_528 = arith.constant 1 : i32
      %add3A_529 = arith.addi %mul3A_527, %add3A_528 : i32
      %mul3A_530 = arith.constant 64 : i32
      %mul3A_531 = arith.muli %add3A_529, %mul3A_530 : i32
      %add3A_532 = arith.addi %mul3A_2, %mul3A_531 : i32
      %dma_wait3A_533 = arith.constant 0 : i32
      %dma_wait3A_534 = arith.constant 1 : i32
      %dma_wait3A_535 = arith.constant 0 : i32
      %dma_wait3A_536 = arith.constant 0 : i32
      %dma_wait3A_537 = tpu.memref_slice %arg6[%dma_wait3A_533, %dma_wait3A_534, %dma_wait3A_535, %dma_wait3A_536] : memref<2x5x64x128xf32, #tpu.memory_space<vmem>> -> memref<1x1x64x64xf32, #tpu.memory_space<vmem>>
      %dma_wait3A_538 = tpu.memref_squeeze %dma_wait3A_537 : memref<1x1x64x64xf32, #tpu.memory_space<vmem>> -> memref<64x64xf32, #tpu.memory_space<vmem>>
      %dma_wait3A_539 = arith.constant 0 : i32
      %dma_wait3A_540 = tpu.memref_slice %arg4[%add3A_532, %dma_wait3A_539] : memref<204800x64xf32, #tpu.memory_space<hbm>> -> memref<64x64xf32, #tpu.memory_space<hbm>>
      %dma_wait3A_541 = arith.constant 0 : i32
      %dma_wait3A_542 = tpu.memref_slice %arg4[%add3A_532, %dma_wait3A_541] : memref<204800x64xf32, #tpu.memory_space<hbm>> -> memref<64x64xf32, #tpu.memory_space<hbm>>
      %dma_wait3A_543 = arith.constant 0 : i32
      %dma_wait3A_544 = arith.constant 0 : i32
      %dma_wait3A_545 = tpu.memref_slice %arg6[%dma_wait3A_533, %dma_wait3A_534, %dma_wait3A_543, %dma_wait3A_544] : memref<2x5x64x128xf32, #tpu.memory_space<vmem>> -> memref<1x1x64x64xf32, #tpu.memory_space<vmem>>
      %dma_wait3A_546 = tpu.memref_squeeze %dma_wait3A_545 : memref<1x1x64x64xf32, #tpu.memory_space<vmem>> -> memref<64x64xf32, #tpu.memory_space<vmem>>
      tpu.wait_dma2 semaphore(%arg9 : memref<!tpu.dma_semaphore, #tpu.memory_space<semaphore_mem>>) src(%dma_wait3A_546 : memref<64x64xf32, #tpu.memory_space<vmem>>) dst(%dma_wait3A_542 : memref<64x64xf32, #tpu.memory_space<hbm>>)
      %mul3A_547 = arith.constant 5 : i32
      %mul3A_548 = arith.muli %mul3A_153, %mul3A_547 : i32
      %add3A_549 = arith.constant 2 : i32
      %add3A_550 = arith.addi %mul3A_548, %add3A_549 : i32
      %mul3A_551 = arith.constant 64 : i32
      %mul3A_552 = arith.muli %add3A_550, %mul3A_551 : i32
      %add3A_553 = arith.addi %mul3A_2, %mul3A_552 : i32
      %dma_wait3A_554 = arith.constant 0 : i32
      %dma_wait3A_555 = arith.constant 2 : i32
      %dma_wait3A_556 = arith.constant 0 : i32
      %dma_wait3A_557 = arith.constant 0 : i32
      %dma_wait3A_558 = tpu.memref_slice %arg6[%dma_wait3A_554, %dma_wait3A_555, %dma_wait3A_556, %dma_wait3A_557] : memref<2x5x64x128xf32, #tpu.memory_space<vmem>> -> memref<1x1x64x64xf32, #tpu.memory_space<vmem>>
      %dma_wait3A_559 = tpu.memref_squeeze %dma_wait3A_558 : memref<1x1x64x64xf32, #tpu.memory_space<vmem>> -> memref<64x64xf32, #tpu.memory_space<vmem>>
      %dma_wait3A_560 = arith.constant 0 : i32
      %dma_wait3A_561 = tpu.memref_slice %arg4[%add3A_553, %dma_wait3A_560] : memref<204800x64xf32, #tpu.memory_space<hbm>> -> memref<64x64xf32, #tpu.memory_space<hbm>>
      %dma_wait3A_562 = arith.constant 0 : i32
      %dma_wait3A_563 = tpu.memref_slice %arg4[%add3A_553, %dma_wait3A_562] : memref<204800x64xf32, #tpu.memory_space<hbm>> -> memref<64x64xf32, #tpu.memory_space<hbm>>
      %dma_wait3A_564 = arith.constant 0 : i32
      %dma_wait3A_565 = arith.constant 0 : i32
      %dma_wait3A_566 = tpu.memref_slice %arg6[%dma_wait3A_554, %dma_wait3A_555, %dma_wait3A_564, %dma_wait3A_565] : memref<2x5x64x128xf32, #tpu.memory_space<vmem>> -> memref<1x1x64x64xf32, #tpu.memory_space<vmem>>
      %dma_wait3A_567 = tpu.memref_squeeze %dma_wait3A_566 : memref<1x1x64x64xf32, #tpu.memory_space<vmem>> -> memref<64x64xf32, #tpu.memory_space<vmem>>
      tpu.wait_dma2 semaphore(%arg9 : memref<!tpu.dma_semaphore, #tpu.memory_space<semaphore_mem>>) src(%dma_wait3A_567 : memref<64x64xf32, #tpu.memory_space<vmem>>) dst(%dma_wait3A_563 : memref<64x64xf32, #tpu.memory_space<hbm>>)
      %mul3A_568 = arith.constant 5 : i32
      %mul3A_569 = arith.muli %mul3A_153, %mul3A_568 : i32
      %add3A_570 = arith.constant 3 : i32
      %add3A_571 = arith.addi %mul3A_569, %add3A_570 : i32
      %mul3A_572 = arith.constant 64 : i32
      %mul3A_573 = arith.muli %add3A_571, %mul3A_572 : i32
      %add3A_574 = arith.addi %mul3A_2, %mul3A_573 : i32
      %dma_wait3A_575 = arith.constant 0 : i32
      %dma_wait3A_576 = arith.constant 3 : i32
      %dma_wait3A_577 = arith.constant 0 : i32
      %dma_wait3A_578 = arith.constant 0 : i32
      %dma_wait3A_579 = tpu.memref_slice %arg6[%dma_wait3A_575, %dma_wait3A_576, %dma_wait3A_577, %dma_wait3A_578] : memref<2x5x64x128xf32, #tpu.memory_space<vmem>> -> memref<1x1x64x64xf32, #tpu.memory_space<vmem>>
      %dma_wait3A_580 = tpu.memref_squeeze %dma_wait3A_579 : memref<1x1x64x64xf32, #tpu.memory_space<vmem>> -> memref<64x64xf32, #tpu.memory_space<vmem>>
      %dma_wait3A_581 = arith.constant 0 : i32
      %dma_wait3A_582 = tpu.memref_slice %arg4[%add3A_574, %dma_wait3A_581] : memref<204800x64xf32, #tpu.memory_space<hbm>> -> memref<64x64xf32, #tpu.memory_space<hbm>>
      %dma_wait3A_583 = arith.constant 0 : i32
      %dma_wait3A_584 = tpu.memref_slice %arg4[%add3A_574, %dma_wait3A_583] : memref<204800x64xf32, #tpu.memory_space<hbm>> -> memref<64x64xf32, #tpu.memory_space<hbm>>
      %dma_wait3A_585 = arith.constant 0 : i32
      %dma_wait3A_586 = arith.constant 0 : i32
      %dma_wait3A_587 = tpu.memref_slice %arg6[%dma_wait3A_575, %dma_wait3A_576, %dma_wait3A_585, %dma_wait3A_586] : memref<2x5x64x128xf32, #tpu.memory_space<vmem>> -> memref<1x1x64x64xf32, #tpu.memory_space<vmem>>
      %dma_wait3A_588 = tpu.memref_squeeze %dma_wait3A_587 : memref<1x1x64x64xf32, #tpu.memory_space<vmem>> -> memref<64x64xf32, #tpu.memory_space<vmem>>
      tpu.wait_dma2 semaphore(%arg9 : memref<!tpu.dma_semaphore, #tpu.memory_space<semaphore_mem>>) src(%dma_wait3A_588 : memref<64x64xf32, #tpu.memory_space<vmem>>) dst(%dma_wait3A_584 : memref<64x64xf32, #tpu.memory_space<hbm>>)
      %mul3A_589 = arith.constant 5 : i32
      %mul3A_590 = arith.muli %mul3A_153, %mul3A_589 : i32
      %add3A_591 = arith.constant 4 : i32
      %add3A_592 = arith.addi %mul3A_590, %add3A_591 : i32
      %mul3A_593 = arith.constant 64 : i32
      %mul3A_594 = arith.muli %add3A_592, %mul3A_593 : i32
      %add3A_595 = arith.addi %mul3A_2, %mul3A_594 : i32
      %dma_wait3A_596 = arith.constant 0 : i32
      %dma_wait3A_597 = arith.constant 4 : i32
      %dma_wait3A_598 = arith.constant 0 : i32
      %dma_wait3A_599 = arith.constant 0 : i32
      %dma_wait3A_600 = tpu.memref_slice %arg6[%dma_wait3A_596, %dma_wait3A_597, %dma_wait3A_598, %dma_wait3A_599] : memref<2x5x64x128xf32, #tpu.memory_space<vmem>> -> memref<1x1x64x64xf32, #tpu.memory_space<vmem>>
      %dma_wait3A_601 = tpu.memref_squeeze %dma_wait3A_600 : memref<1x1x64x64xf32, #tpu.memory_space<vmem>> -> memref<64x64xf32, #tpu.memory_space<vmem>>
      %dma_wait3A_602 = arith.constant 0 : i32
      %dma_wait3A_603 = tpu.memref_slice %arg4[%add3A_595, %dma_wait3A_602] : memref<204800x64xf32, #tpu.memory_space<hbm>> -> memref<64x64xf32, #tpu.memory_space<hbm>>
      %dma_wait3A_604 = arith.constant 0 : i32
      %dma_wait3A_605 = tpu.memref_slice %arg4[%add3A_595, %dma_wait3A_604] : memref<204800x64xf32, #tpu.memory_space<hbm>> -> memref<64x64xf32, #tpu.memory_space<hbm>>
      %dma_wait3A_606 = arith.constant 0 : i32
      %dma_wait3A_607 = arith.constant 0 : i32
      %dma_wait3A_608 = tpu.memref_slice %arg6[%dma_wait3A_596, %dma_wait3A_597, %dma_wait3A_606, %dma_wait3A_607] : memref<2x5x64x128xf32, #tpu.memory_space<vmem>> -> memref<1x1x64x64xf32, #tpu.memory_space<vmem>>
      %dma_wait3A_609 = tpu.memref_squeeze %dma_wait3A_608 : memref<1x1x64x64xf32, #tpu.memory_space<vmem>> -> memref<64x64xf32, #tpu.memory_space<vmem>>
      tpu.wait_dma2 semaphore(%arg9 : memref<!tpu.dma_semaphore, #tpu.memory_space<semaphore_mem>>) src(%dma_wait3A_609 : memref<64x64xf32, #tpu.memory_space<vmem>>) dst(%dma_wait3A_605 : memref<64x64xf32, #tpu.memory_space<hbm>>)
      %lt3A = arith.constant 9 : i32
      %lt3A_610 = arith.cmpi slt, %scan3A_151, %lt3A : i32
      %convert_element_type3A_611 = arith.extui %lt3A_610 : i1 to i32
      %cond3A_612 = arith.constant 0 : i32
      %cond3A_613 = arith.cmpi ne, %convert_element_type3A_611, %cond3A_612 : i32
      scf.if %cond3A_613 {
        %add3A_721 = arith.constant 2 : i32
        %add3A_722 = arith.addi %mul3A_153, %add3A_721 : i32
        %mul3A_723 = arith.constant 5 : i32
        %mul3A_724 = arith.muli %add3A_722, %mul3A_723 : i32
        %add3A_725 = arith.constant 0 : i32
        %add3A_726 = arith.addi %mul3A_724, %add3A_725 : i32
        %dma_start3A_727 = arith.constant 0 : i32
        %dma_start3A_728 = arith.constant 0 : i32
        %dma_start3A_729 = arith.constant 0 : i32
        %dma_start3A_730 = arith.constant 0 : i32
        %dma_start3A_731 = tpu.memref_slice %arg6[%dma_start3A_727, %dma_start3A_728, %dma_start3A_729, %dma_start3A_730] : memref<2x5x64x128xf32, #tpu.memory_space<vmem>> -> memref<1x1x64x128xf32, #tpu.memory_space<vmem>>
        %dma_start3A_732 = tpu.memref_squeeze %dma_start3A_731 : memref<1x1x64x128xf32, #tpu.memory_space<vmem>> -> memref<64x128xf32, #tpu.memory_space<vmem>>
        %dma_start3A_733 = arith.constant 0 : i32
        %dma_start3A_734 = tpu.memref_slice %arg5[%add3A_726, %dma_start3A_733] : memref<100x64xi32, #tpu.memory_space<vmem>> -> memref<1x64xi32, #tpu.memory_space<vmem>>
        %dma_start3A_735 = tpu.memref_squeeze %dma_start3A_734 : memref<1x64xi32, #tpu.memory_space<vmem>> -> memref<64xi32, #tpu.memory_space<vmem>>
        %dma_start3A_736 = arith.constant 0 : i32
        %dma_start3A_737 = arith.constant 0 : i32
        %dma_start3A_738 = tpu.memref_slice %arg3[%dma_start3A_736, %dma_start3A_737] : memref<1000000x128xf32, #tpu.memory_space<hbm>> -> memref<1000000x128xf32, #tpu.memory_space<hbm>>
        tpu.enqueue_indirect_dma source(%dma_start3A_738 : memref<1000000x128xf32, #tpu.memory_space<hbm>>) target(%dma_start3A_732 : memref<64x128xf32, #tpu.memory_space<vmem>>) offsets(%dma_start3A_735 : memref<64xi32, #tpu.memory_space<vmem>>) semaphore(%arg7 : memref<!tpu.dma_semaphore, #tpu.memory_space<semaphore_mem>>)
        %mul3A_739 = arith.constant 5 : i32
        %mul3A_740 = arith.muli %add3A_722, %mul3A_739 : i32
        %add3A_741 = arith.constant 1 : i32
        %add3A_742 = arith.addi %mul3A_740, %add3A_741 : i32
        %dma_start3A_743 = arith.constant 0 : i32
        %dma_start3A_744 = arith.constant 1 : i32
        %dma_start3A_745 = arith.constant 0 : i32
        %dma_start3A_746 = arith.constant 0 : i32
        %dma_start3A_747 = tpu.memref_slice %arg6[%dma_start3A_743, %dma_start3A_744, %dma_start3A_745, %dma_start3A_746] : memref<2x5x64x128xf32, #tpu.memory_space<vmem>> -> memref<1x1x64x128xf32, #tpu.memory_space<vmem>>
        %dma_start3A_748 = tpu.memref_squeeze %dma_start3A_747 : memref<1x1x64x128xf32, #tpu.memory_space<vmem>> -> memref<64x128xf32, #tpu.memory_space<vmem>>
        %dma_start3A_749 = arith.constant 0 : i32
        %dma_start3A_750 = tpu.memref_slice %arg5[%add3A_742, %dma_start3A_749] : memref<100x64xi32, #tpu.memory_space<vmem>> -> memref<1x64xi32, #tpu.memory_space<vmem>>
        %dma_start3A_751 = tpu.memref_squeeze %dma_start3A_750 : memref<1x64xi32, #tpu.memory_space<vmem>> -> memref<64xi32, #tpu.memory_space<vmem>>
        %dma_start3A_752 = arith.constant 0 : i32
        %dma_start3A_753 = arith.constant 0 : i32
        %dma_start3A_754 = tpu.memref_slice %arg3[%dma_start3A_752, %dma_start3A_753] : memref<1000000x128xf32, #tpu.memory_space<hbm>> -> memref<1000000x128xf32, #tpu.memory_space<hbm>>
        tpu.enqueue_indirect_dma source(%dma_start3A_754 : memref<1000000x128xf32, #tpu.memory_space<hbm>>) target(%dma_start3A_748 : memref<64x128xf32, #tpu.memory_space<vmem>>) offsets(%dma_start3A_751 : memref<64xi32, #tpu.memory_space<vmem>>) semaphore(%arg7 : memref<!tpu.dma_semaphore, #tpu.memory_space<semaphore_mem>>)
        %mul3A_755 = arith.constant 5 : i32
        %mul3A_756 = arith.muli %add3A_722, %mul3A_755 : i32
        %add3A_757 = arith.constant 2 : i32
        %add3A_758 = arith.addi %mul3A_756, %add3A_757 : i32
        %dma_start3A_759 = arith.constant 0 : i32
        %dma_start3A_760 = arith.constant 2 : i32
        %dma_start3A_761 = arith.constant 0 : i32
        %dma_start3A_762 = arith.constant 0 : i32
        %dma_start3A_763 = tpu.memref_slice %arg6[%dma_start3A_759, %dma_start3A_760, %dma_start3A_761, %dma_start3A_762] : memref<2x5x64x128xf32, #tpu.memory_space<vmem>> -> memref<1x1x64x128xf32, #tpu.memory_space<vmem>>
        %dma_start3A_764 = tpu.memref_squeeze %dma_start3A_763 : memref<1x1x64x128xf32, #tpu.memory_space<vmem>> -> memref<64x128xf32, #tpu.memory_space<vmem>>
        %dma_start3A_765 = arith.constant 0 : i32
        %dma_start3A_766 = tpu.memref_slice %arg5[%add3A_758, %dma_start3A_765] : memref<100x64xi32, #tpu.memory_space<vmem>> -> memref<1x64xi32, #tpu.memory_space<vmem>>
        %dma_start3A_767 = tpu.memref_squeeze %dma_start3A_766 : memref<1x64xi32, #tpu.memory_space<vmem>> -> memref<64xi32, #tpu.memory_space<vmem>>
        %dma_start3A_768 = arith.constant 0 : i32
        %dma_start3A_769 = arith.constant 0 : i32
        %dma_start3A_770 = tpu.memref_slice %arg3[%dma_start3A_768, %dma_start3A_769] : memref<1000000x128xf32, #tpu.memory_space<hbm>> -> memref<1000000x128xf32, #tpu.memory_space<hbm>>
        tpu.enqueue_indirect_dma source(%dma_start3A_770 : memref<1000000x128xf32, #tpu.memory_space<hbm>>) target(%dma_start3A_764 : memref<64x128xf32, #tpu.memory_space<vmem>>) offsets(%dma_start3A_767 : memref<64xi32, #tpu.memory_space<vmem>>) semaphore(%arg7 : memref<!tpu.dma_semaphore, #tpu.memory_space<semaphore_mem>>)
        %mul3A_771 = arith.constant 5 : i32
        %mul3A_772 = arith.muli %add3A_722, %mul3A_771 : i32
        %add3A_773 = arith.constant 3 : i32
        %add3A_774 = arith.addi %mul3A_772, %add3A_773 : i32
        %dma_start3A_775 = arith.constant 0 : i32
        %dma_start3A_776 = arith.constant 3 : i32
        %dma_start3A_777 = arith.constant 0 : i32
        %dma_start3A_778 = arith.constant 0 : i32
        %dma_start3A_779 = tpu.memref_slice %arg6[%dma_start3A_775, %dma_start3A_776, %dma_start3A_777, %dma_start3A_778] : memref<2x5x64x128xf32, #tpu.memory_space<vmem>> -> memref<1x1x64x128xf32, #tpu.memory_space<vmem>>
        %dma_start3A_780 = tpu.memref_squeeze %dma_start3A_779 : memref<1x1x64x128xf32, #tpu.memory_space<vmem>> -> memref<64x128xf32, #tpu.memory_space<vmem>>
        %dma_start3A_781 = arith.constant 0 : i32
        %dma_start3A_782 = tpu.memref_slice %arg5[%add3A_774, %dma_start3A_781] : memref<100x64xi32, #tpu.memory_space<vmem>> -> memref<1x64xi32, #tpu.memory_space<vmem>>
        %dma_start3A_783 = tpu.memref_squeeze %dma_start3A_782 : memref<1x64xi32, #tpu.memory_space<vmem>> -> memref<64xi32, #tpu.memory_space<vmem>>
        %dma_start3A_784 = arith.constant 0 : i32
        %dma_start3A_785 = arith.constant 0 : i32
        %dma_start3A_786 = tpu.memref_slice %arg3[%dma_start3A_784, %dma_start3A_785] : memref<1000000x128xf32, #tpu.memory_space<hbm>> -> memref<1000000x128xf32, #tpu.memory_space<hbm>>
        tpu.enqueue_indirect_dma source(%dma_start3A_786 : memref<1000000x128xf32, #tpu.memory_space<hbm>>) target(%dma_start3A_780 : memref<64x128xf32, #tpu.memory_space<vmem>>) offsets(%dma_start3A_783 : memref<64xi32, #tpu.memory_space<vmem>>) semaphore(%arg7 : memref<!tpu.dma_semaphore, #tpu.memory_space<semaphore_mem>>)
        %mul3A_787 = arith.constant 5 : i32
        %mul3A_788 = arith.muli %add3A_722, %mul3A_787 : i32
        %add3A_789 = arith.constant 4 : i32
        %add3A_790 = arith.addi %mul3A_788, %add3A_789 : i32
        %dma_start3A_791 = arith.constant 0 : i32
        %dma_start3A_792 = arith.constant 4 : i32
        %dma_start3A_793 = arith.constant 0 : i32
        %dma_start3A_794 = arith.constant 0 : i32
        %dma_start3A_795 = tpu.memref_slice %arg6[%dma_start3A_791, %dma_start3A_792, %dma_start3A_793, %dma_start3A_794] : memref<2x5x64x128xf32, #tpu.memory_space<vmem>> -> memref<1x1x64x128xf32, #tpu.memory_space<vmem>>
        %dma_start3A_796 = tpu.memref_squeeze %dma_start3A_795 : memref<1x1x64x128xf32, #tpu.memory_space<vmem>> -> memref<64x128xf32, #tpu.memory_space<vmem>>
        %dma_start3A_797 = arith.constant 0 : i32
        %dma_start3A_798 = tpu.memref_slice %arg5[%add3A_790, %dma_start3A_797] : memref<100x64xi32, #tpu.memory_space<vmem>> -> memref<1x64xi32, #tpu.memory_space<vmem>>
        %dma_start3A_799 = tpu.memref_squeeze %dma_start3A_798 : memref<1x64xi32, #tpu.memory_space<vmem>> -> memref<64xi32, #tpu.memory_space<vmem>>
        %dma_start3A_800 = arith.constant 0 : i32
        %dma_start3A_801 = arith.constant 0 : i32
        %dma_start3A_802 = tpu.memref_slice %arg3[%dma_start3A_800, %dma_start3A_801] : memref<1000000x128xf32, #tpu.memory_space<hbm>> -> memref<1000000x128xf32, #tpu.memory_space<hbm>>
        tpu.enqueue_indirect_dma source(%dma_start3A_802 : memref<1000000x128xf32, #tpu.memory_space<hbm>>) target(%dma_start3A_796 : memref<64x128xf32, #tpu.memory_space<vmem>>) offsets(%dma_start3A_799 : memref<64xi32, #tpu.memory_space<vmem>>) semaphore(%arg7 : memref<!tpu.dma_semaphore, #tpu.memory_space<semaphore_mem>>)
      } else {
      }
      %add3A_614 = arith.constant 1 : i32
      %add3A_615 = arith.addi %mul3A_153, %add3A_614 : i32
      %mul3A_616 = arith.constant 5 : i32
      %mul3A_617 = arith.muli %add3A_615, %mul3A_616 : i32
      %add3A_618 = arith.constant 0 : i32
      %add3A_619 = arith.addi %mul3A_617, %add3A_618 : i32
      %mul3A_620 = arith.constant 64 : i32
      %mul3A_621 = arith.muli %add3A_619, %mul3A_620 : i32
      %add3A_622 = arith.addi %mul3A_2, %mul3A_621 : i32
      %dma_start3A_623 = arith.constant 1 : i32
      %dma_start3A_624 = arith.constant 0 : i32
      %dma_start3A_625 = arith.constant 0 : i32
      %dma_start3A_626 = arith.constant 0 : i32
      %dma_start3A_627 = tpu.memref_slice %arg6[%dma_start3A_623, %dma_start3A_624, %dma_start3A_625, %dma_start3A_626] : memref<2x5x64x128xf32, #tpu.memory_space<vmem>> -> memref<1x1x64x64xf32, #tpu.memory_space<vmem>>
      %dma_start3A_628 = tpu.memref_squeeze %dma_start3A_627 : memref<1x1x64x64xf32, #tpu.memory_space<vmem>> -> memref<64x64xf32, #tpu.memory_space<vmem>>
      %dma_start3A_629 = arith.constant 0 : i32
      %dma_start3A_630 = tpu.memref_slice %arg4[%add3A_622, %dma_start3A_629] : memref<204800x64xf32, #tpu.memory_space<hbm>> -> memref<64x64xf32, #tpu.memory_space<hbm>>
      %dma_start3A_631 = arith.constant 0 : i32
      %dma_start3A_632 = tpu.memref_slice %arg4[%add3A_622, %dma_start3A_631] : memref<204800x64xf32, #tpu.memory_space<hbm>> -> memref<64x64xf32, #tpu.memory_space<hbm>>
      %dma_start3A_633 = arith.constant 0 : i32
      %dma_start3A_634 = arith.constant 0 : i32
      %dma_start3A_635 = tpu.memref_slice %arg6[%dma_start3A_623, %dma_start3A_624, %dma_start3A_633, %dma_start3A_634] : memref<2x5x64x128xf32, #tpu.memory_space<vmem>> -> memref<1x1x64x64xf32, #tpu.memory_space<vmem>>
      %dma_start3A_636 = tpu.memref_squeeze %dma_start3A_635 : memref<1x1x64x64xf32, #tpu.memory_space<vmem>> -> memref<64x64xf32, #tpu.memory_space<vmem>>
      tpu.enqueue_dma source(%dma_start3A_636 : memref<64x64xf32, #tpu.memory_space<vmem>>) target(%dma_start3A_632 : memref<64x64xf32, #tpu.memory_space<hbm>>) target_semaphore(%arg10 : memref<!tpu.dma_semaphore, #tpu.memory_space<semaphore_mem>>)
      %mul3A_637 = arith.constant 5 : i32
      %mul3A_638 = arith.muli %add3A_615, %mul3A_637 : i32
      %add3A_639 = arith.constant 1 : i32
      %add3A_640 = arith.addi %mul3A_638, %add3A_639 : i32
      %mul3A_641 = arith.constant 64 : i32
      %mul3A_642 = arith.muli %add3A_640, %mul3A_641 : i32
      %add3A_643 = arith.addi %mul3A_2, %mul3A_642 : i32
      %dma_start3A_644 = arith.constant 1 : i32
      %dma_start3A_645 = arith.constant 1 : i32
      %dma_start3A_646 = arith.constant 0 : i32
      %dma_start3A_647 = arith.constant 0 : i32
      %dma_start3A_648 = tpu.memref_slice %arg6[%dma_start3A_644, %dma_start3A_645, %dma_start3A_646, %dma_start3A_647] : memref<2x5x64x128xf32, #tpu.memory_space<vmem>> -> memref<1x1x64x64xf32, #tpu.memory_space<vmem>>
      %dma_start3A_649 = tpu.memref_squeeze %dma_start3A_648 : memref<1x1x64x64xf32, #tpu.memory_space<vmem>> -> memref<64x64xf32, #tpu.memory_space<vmem>>
      %dma_start3A_650 = arith.constant 0 : i32
      %dma_start3A_651 = tpu.memref_slice %arg4[%add3A_643, %dma_start3A_650] : memref<204800x64xf32, #tpu.memory_space<hbm>> -> memref<64x64xf32, #tpu.memory_space<hbm>>
      %dma_start3A_652 = arith.constant 0 : i32
      %dma_start3A_653 = tpu.memref_slice %arg4[%add3A_643, %dma_start3A_652] : memref<204800x64xf32, #tpu.memory_space<hbm>> -> memref<64x64xf32, #tpu.memory_space<hbm>>
      %dma_start3A_654 = arith.constant 0 : i32
      %dma_start3A_655 = arith.constant 0 : i32
      %dma_start3A_656 = tpu.memref_slice %arg6[%dma_start3A_644, %dma_start3A_645, %dma_start3A_654, %dma_start3A_655] : memref<2x5x64x128xf32, #tpu.memory_space<vmem>> -> memref<1x1x64x64xf32, #tpu.memory_space<vmem>>
      %dma_start3A_657 = tpu.memref_squeeze %dma_start3A_656 : memref<1x1x64x64xf32, #tpu.memory_space<vmem>> -> memref<64x64xf32, #tpu.memory_space<vmem>>
      tpu.enqueue_dma source(%dma_start3A_657 : memref<64x64xf32, #tpu.memory_space<vmem>>) target(%dma_start3A_653 : memref<64x64xf32, #tpu.memory_space<hbm>>) target_semaphore(%arg10 : memref<!tpu.dma_semaphore, #tpu.memory_space<semaphore_mem>>)
      %mul3A_658 = arith.constant 5 : i32
      %mul3A_659 = arith.muli %add3A_615, %mul3A_658 : i32
      %add3A_660 = arith.constant 2 : i32
      %add3A_661 = arith.addi %mul3A_659, %add3A_660 : i32
      %mul3A_662 = arith.constant 64 : i32
      %mul3A_663 = arith.muli %add3A_661, %mul3A_662 : i32
      %add3A_664 = arith.addi %mul3A_2, %mul3A_663 : i32
      %dma_start3A_665 = arith.constant 1 : i32
      %dma_start3A_666 = arith.constant 2 : i32
      %dma_start3A_667 = arith.constant 0 : i32
      %dma_start3A_668 = arith.constant 0 : i32
      %dma_start3A_669 = tpu.memref_slice %arg6[%dma_start3A_665, %dma_start3A_666, %dma_start3A_667, %dma_start3A_668] : memref<2x5x64x128xf32, #tpu.memory_space<vmem>> -> memref<1x1x64x64xf32, #tpu.memory_space<vmem>>
      %dma_start3A_670 = tpu.memref_squeeze %dma_start3A_669 : memref<1x1x64x64xf32, #tpu.memory_space<vmem>> -> memref<64x64xf32, #tpu.memory_space<vmem>>
      %dma_start3A_671 = arith.constant 0 : i32
      %dma_start3A_672 = tpu.memref_slice %arg4[%add3A_664, %dma_start3A_671] : memref<204800x64xf32, #tpu.memory_space<hbm>> -> memref<64x64xf32, #tpu.memory_space<hbm>>
      %dma_start3A_673 = arith.constant 0 : i32
      %dma_start3A_674 = tpu.memref_slice %arg4[%add3A_664, %dma_start3A_673] : memref<204800x64xf32, #tpu.memory_space<hbm>> -> memref<64x64xf32, #tpu.memory_space<hbm>>
      %dma_start3A_675 = arith.constant 0 : i32
      %dma_start3A_676 = arith.constant 0 : i32
      %dma_start3A_677 = tpu.memref_slice %arg6[%dma_start3A_665, %dma_start3A_666, %dma_start3A_675, %dma_start3A_676] : memref<2x5x64x128xf32, #tpu.memory_space<vmem>> -> memref<1x1x64x64xf32, #tpu.memory_space<vmem>>
      %dma_start3A_678 = tpu.memref_squeeze %dma_start3A_677 : memref<1x1x64x64xf32, #tpu.memory_space<vmem>> -> memref<64x64xf32, #tpu.memory_space<vmem>>
      tpu.enqueue_dma source(%dma_start3A_678 : memref<64x64xf32, #tpu.memory_space<vmem>>) target(%dma_start3A_674 : memref<64x64xf32, #tpu.memory_space<hbm>>) target_semaphore(%arg10 : memref<!tpu.dma_semaphore, #tpu.memory_space<semaphore_mem>>)
      %mul3A_679 = arith.constant 5 : i32
      %mul3A_680 = arith.muli %add3A_615, %mul3A_679 : i32
      %add3A_681 = arith.constant 3 : i32
      %add3A_682 = arith.addi %mul3A_680, %add3A_681 : i32
      %mul3A_683 = arith.constant 64 : i32
      %mul3A_684 = arith.muli %add3A_682, %mul3A_683 : i32
      %add3A_685 = arith.addi %mul3A_2, %mul3A_684 : i32
      %dma_start3A_686 = arith.constant 1 : i32
      %dma_start3A_687 = arith.constant 3 : i32
      %dma_start3A_688 = arith.constant 0 : i32
      %dma_start3A_689 = arith.constant 0 : i32
      %dma_start3A_690 = tpu.memref_slice %arg6[%dma_start3A_686, %dma_start3A_687, %dma_start3A_688, %dma_start3A_689] : memref<2x5x64x128xf32, #tpu.memory_space<vmem>> -> memref<1x1x64x64xf32, #tpu.memory_space<vmem>>
      %dma_start3A_691 = tpu.memref_squeeze %dma_start3A_690 : memref<1x1x64x64xf32, #tpu.memory_space<vmem>> -> memref<64x64xf32, #tpu.memory_space<vmem>>
      %dma_start3A_692 = arith.constant 0 : i32
      %dma_start3A_693 = tpu.memref_slice %arg4[%add3A_685, %dma_start3A_692] : memref<204800x64xf32, #tpu.memory_space<hbm>> -> memref<64x64xf32, #tpu.memory_space<hbm>>
      %dma_start3A_694 = arith.constant 0 : i32
      %dma_start3A_695 = tpu.memref_slice %arg4[%add3A_685, %dma_start3A_694] : memref<204800x64xf32, #tpu.memory_space<hbm>> -> memref<64x64xf32, #tpu.memory_space<hbm>>
      %dma_start3A_696 = arith.constant 0 : i32
      %dma_start3A_697 = arith.constant 0 : i32
      %dma_start3A_698 = tpu.memref_slice %arg6[%dma_start3A_686, %dma_start3A_687, %dma_start3A_696, %dma_start3A_697] : memref<2x5x64x128xf32, #tpu.memory_space<vmem>> -> memref<1x1x64x64xf32, #tpu.memory_space<vmem>>
      %dma_start3A_699 = tpu.memref_squeeze %dma_start3A_698 : memref<1x1x64x64xf32, #tpu.memory_space<vmem>> -> memref<64x64xf32, #tpu.memory_space<vmem>>
      tpu.enqueue_dma source(%dma_start3A_699 : memref<64x64xf32, #tpu.memory_space<vmem>>) target(%dma_start3A_695 : memref<64x64xf32, #tpu.memory_space<hbm>>) target_semaphore(%arg10 : memref<!tpu.dma_semaphore, #tpu.memory_space<semaphore_mem>>)
      %mul3A_700 = arith.constant 5 : i32
      %mul3A_701 = arith.muli %add3A_615, %mul3A_700 : i32
      %add3A_702 = arith.constant 4 : i32
      %add3A_703 = arith.addi %mul3A_701, %add3A_702 : i32
      %mul3A_704 = arith.constant 64 : i32
      %mul3A_705 = arith.muli %add3A_703, %mul3A_704 : i32
      %add3A_706 = arith.addi %mul3A_2, %mul3A_705 : i32
      %dma_start3A_707 = arith.constant 1 : i32
      %dma_start3A_708 = arith.constant 4 : i32
      %dma_start3A_709 = arith.constant 0 : i32
      %dma_start3A_710 = arith.constant 0 : i32
      %dma_start3A_711 = tpu.memref_slice %arg6[%dma_start3A_707, %dma_start3A_708, %dma_start3A_709, %dma_start3A_710] : memref<2x5x64x128xf32, #tpu.memory_space<vmem>> -> memref<1x1x64x64xf32, #tpu.memory_space<vmem>>
      %dma_start3A_712 = tpu.memref_squeeze %dma_start3A_711 : memref<1x1x64x64xf32, #tpu.memory_space<vmem>> -> memref<64x64xf32, #tpu.memory_space<vmem>>
      %dma_start3A_713 = arith.constant 0 : i32
      %dma_start3A_714 = tpu.memref_slice %arg4[%add3A_706, %dma_start3A_713] : memref<204800x64xf32, #tpu.memory_space<hbm>> -> memref<64x64xf32, #tpu.memory_space<hbm>>
      %dma_start3A_715 = arith.constant 0 : i32
      %dma_start3A_716 = tpu.memref_slice %arg4[%add3A_706, %dma_start3A_715] : memref<204800x64xf32, #tpu.memory_space<hbm>> -> memref<64x64xf32, #tpu.memory_space<hbm>>
      %dma_start3A_717 = arith.constant 0 : i32
      %dma_start3A_718 = arith.constant 0 : i32
      %dma_start3A_719 = tpu.memref_slice %arg6[%dma_start3A_707, %dma_start3A_708, %dma_start3A_717, %dma_start3A_718] : memref<2x5x64x128xf32, #tpu.memory_space<vmem>> -> memref<1x1x64x64xf32, #tpu.memory_space<vmem>>
      %dma_start3A_720 = tpu.memref_squeeze %dma_start3A_719 : memref<1x1x64x64xf32, #tpu.memory_space<vmem>> -> memref<64x64xf32, #tpu.memory_space<vmem>>
      tpu.enqueue_dma source(%dma_start3A_720 : memref<64x64xf32, #tpu.memory_space<vmem>>) target(%dma_start3A_716 : memref<64x64xf32, #tpu.memory_space<hbm>>) target_semaphore(%arg10 : memref<!tpu.dma_semaphore, #tpu.memory_space<semaphore_mem>>)
    }
    %scan3A_71 = arith.constant 10 : i32
    %add3A_72 = arith.constant 6080 : i32
    %add3A_73 = arith.addi %mul3A_2, %add3A_72 : i32
    %dma_wait3A = arith.constant 1 : i32
    %dma_wait3A_74 = arith.constant 0 : i32
    %dma_wait3A_75 = arith.constant 0 : i32
    %dma_wait3A_76 = arith.constant 0 : i32
    %dma_wait3A_77 = tpu.memref_slice %arg6[%dma_wait3A, %dma_wait3A_74, %dma_wait3A_75, %dma_wait3A_76] : memref<2x5x64x128xf32, #tpu.memory_space<vmem>> -> memref<1x1x64x64xf32, #tpu.memory_space<vmem>>
    %dma_wait3A_78 = tpu.memref_squeeze %dma_wait3A_77 : memref<1x1x64x64xf32, #tpu.memory_space<vmem>> -> memref<64x64xf32, #tpu.memory_space<vmem>>
    %dma_wait3A_79 = arith.constant 0 : i32
    %dma_wait3A_80 = tpu.memref_slice %arg4[%add3A_73, %dma_wait3A_79] : memref<204800x64xf32, #tpu.memory_space<hbm>> -> memref<64x64xf32, #tpu.memory_space<hbm>>
    %dma_wait3A_81 = arith.constant 0 : i32
    %dma_wait3A_82 = tpu.memref_slice %arg4[%add3A_73, %dma_wait3A_81] : memref<204800x64xf32, #tpu.memory_space<hbm>> -> memref<64x64xf32, #tpu.memory_space<hbm>>
    %dma_wait3A_83 = arith.constant 0 : i32
    %dma_wait3A_84 = arith.constant 0 : i32
    %dma_wait3A_85 = tpu.memref_slice %arg6[%dma_wait3A, %dma_wait3A_74, %dma_wait3A_83, %dma_wait3A_84] : memref<2x5x64x128xf32, #tpu.memory_space<vmem>> -> memref<1x1x64x64xf32, #tpu.memory_space<vmem>>
    %dma_wait3A_86 = tpu.memref_squeeze %dma_wait3A_85 : memref<1x1x64x64xf32, #tpu.memory_space<vmem>> -> memref<64x64xf32, #tpu.memory_space<vmem>>
    tpu.wait_dma2 semaphore(%arg10 : memref<!tpu.dma_semaphore, #tpu.memory_space<semaphore_mem>>) src(%dma_wait3A_86 : memref<64x64xf32, #tpu.memory_space<vmem>>) dst(%dma_wait3A_82 : memref<64x64xf32, #tpu.memory_space<hbm>>)
    %add3A_87 = arith.constant 6144 : i32
    %add3A_88 = arith.addi %mul3A_2, %add3A_87 : i32
    %dma_wait3A_89 = arith.constant 1 : i32
    %dma_wait3A_90 = arith.constant 1 : i32
    %dma_wait3A_91 = arith.constant 0 : i32
    %dma_wait3A_92 = arith.constant 0 : i32
    %dma_wait3A_93 = tpu.memref_slice %arg6[%dma_wait3A_89, %dma_wait3A_90, %dma_wait3A_91, %dma_wait3A_92] : memref<2x5x64x128xf32, #tpu.memory_space<vmem>> -> memref<1x1x64x64xf32, #tpu.memory_space<vmem>>
    %dma_wait3A_94 = tpu.memref_squeeze %dma_wait3A_93 : memref<1x1x64x64xf32, #tpu.memory_space<vmem>> -> memref<64x64xf32, #tpu.memory_space<vmem>>
    %dma_wait3A_95 = arith.constant 0 : i32
    %dma_wait3A_96 = tpu.memref_slice %arg4[%add3A_88, %dma_wait3A_95] : memref<204800x64xf32, #tpu.memory_space<hbm>> -> memref<64x64xf32, #tpu.memory_space<hbm>>
    %dma_wait3A_97 = arith.constant 0 : i32
    %dma_wait3A_98 = tpu.memref_slice %arg4[%add3A_88, %dma_wait3A_97] : memref<204800x64xf32, #tpu.memory_space<hbm>> -> memref<64x64xf32, #tpu.memory_space<hbm>>
    %dma_wait3A_99 = arith.constant 0 : i32
    %dma_wait3A_100 = arith.constant 0 : i32
    %dma_wait3A_101 = tpu.memref_slice %arg6[%dma_wait3A_89, %dma_wait3A_90, %dma_wait3A_99, %dma_wait3A_100] : memref<2x5x64x128xf32, #tpu.memory_space<vmem>> -> memref<1x1x64x64xf32, #tpu.memory_space<vmem>>
    %dma_wait3A_102 = tpu.memref_squeeze %dma_wait3A_101 : memref<1x1x64x64xf32, #tpu.memory_space<vmem>> -> memref<64x64xf32, #tpu.memory_space<vmem>>
    tpu.wait_dma2 semaphore(%arg10 : memref<!tpu.dma_semaphore, #tpu.memory_space<semaphore_mem>>) src(%dma_wait3A_102 : memref<64x64xf32, #tpu.memory_space<vmem>>) dst(%dma_wait3A_98 : memref<64x64xf32, #tpu.memory_space<hbm>>)
    %add3A_103 = arith.constant 6208 : i32
    %add3A_104 = arith.addi %mul3A_2, %add3A_103 : i32
    %dma_wait3A_105 = arith.constant 1 : i32
    %dma_wait3A_106 = arith.constant 2 : i32
    %dma_wait3A_107 = arith.constant 0 : i32
    %dma_wait3A_108 = arith.constant 0 : i32
    %dma_wait3A_109 = tpu.memref_slice %arg6[%dma_wait3A_105, %dma_wait3A_106, %dma_wait3A_107, %dma_wait3A_108] : memref<2x5x64x128xf32, #tpu.memory_space<vmem>> -> memref<1x1x64x64xf32, #tpu.memory_space<vmem>>
    %dma_wait3A_110 = tpu.memref_squeeze %dma_wait3A_109 : memref<1x1x64x64xf32, #tpu.memory_space<vmem>> -> memref<64x64xf32, #tpu.memory_space<vmem>>
    %dma_wait3A_111 = arith.constant 0 : i32
    %dma_wait3A_112 = tpu.memref_slice %arg4[%add3A_104, %dma_wait3A_111] : memref<204800x64xf32, #tpu.memory_space<hbm>> -> memref<64x64xf32, #tpu.memory_space<hbm>>
    %dma_wait3A_113 = arith.constant 0 : i32
    %dma_wait3A_114 = tpu.memref_slice %arg4[%add3A_104, %dma_wait3A_113] : memref<204800x64xf32, #tpu.memory_space<hbm>> -> memref<64x64xf32, #tpu.memory_space<hbm>>
    %dma_wait3A_115 = arith.constant 0 : i32
    %dma_wait3A_116 = arith.constant 0 : i32
    %dma_wait3A_117 = tpu.memref_slice %arg6[%dma_wait3A_105, %dma_wait3A_106, %dma_wait3A_115, %dma_wait3A_116] : memref<2x5x64x128xf32, #tpu.memory_space<vmem>> -> memref<1x1x64x64xf32, #tpu.memory_space<vmem>>
    %dma_wait3A_118 = tpu.memref_squeeze %dma_wait3A_117 : memref<1x1x64x64xf32, #tpu.memory_space<vmem>> -> memref<64x64xf32, #tpu.memory_space<vmem>>
    tpu.wait_dma2 semaphore(%arg10 : memref<!tpu.dma_semaphore, #tpu.memory_space<semaphore_mem>>) src(%dma_wait3A_118 : memref<64x64xf32, #tpu.memory_space<vmem>>) dst(%dma_wait3A_114 : memref<64x64xf32, #tpu.memory_space<hbm>>)
    %add3A_119 = arith.constant 6272 : i32
    %add3A_120 = arith.addi %mul3A_2, %add3A_119 : i32
    %dma_wait3A_121 = arith.constant 1 : i32
    %dma_wait3A_122 = arith.constant 3 : i32
    %dma_wait3A_123 = arith.constant 0 : i32
    %dma_wait3A_124 = arith.constant 0 : i32
    %dma_wait3A_125 = tpu.memref_slice %arg6[%dma_wait3A_121, %dma_wait3A_122, %dma_wait3A_123, %dma_wait3A_124] : memref<2x5x64x128xf32, #tpu.memory_space<vmem>> -> memref<1x1x64x64xf32, #tpu.memory_space<vmem>>
    %dma_wait3A_126 = tpu.memref_squeeze %dma_wait3A_125 : memref<1x1x64x64xf32, #tpu.memory_space<vmem>> -> memref<64x64xf32, #tpu.memory_space<vmem>>
    %dma_wait3A_127 = arith.constant 0 : i32
    %dma_wait3A_128 = tpu.memref_slice %arg4[%add3A_120, %dma_wait3A_127] : memref<204800x64xf32, #tpu.memory_space<hbm>> -> memref<64x64xf32, #tpu.memory_space<hbm>>
    %dma_wait3A_129 = arith.constant 0 : i32
    %dma_wait3A_130 = tpu.memref_slice %arg4[%add3A_120, %dma_wait3A_129] : memref<204800x64xf32, #tpu.memory_space<hbm>> -> memref<64x64xf32, #tpu.memory_space<hbm>>
    %dma_wait3A_131 = arith.constant 0 : i32
    %dma_wait3A_132 = arith.constant 0 : i32
    %dma_wait3A_133 = tpu.memref_slice %arg6[%dma_wait3A_121, %dma_wait3A_122, %dma_wait3A_131, %dma_wait3A_132] : memref<2x5x64x128xf32, #tpu.memory_space<vmem>> -> memref<1x1x64x64xf32, #tpu.memory_space<vmem>>
    %dma_wait3A_134 = tpu.memref_squeeze %dma_wait3A_133 : memref<1x1x64x64xf32, #tpu.memory_space<vmem>> -> memref<64x64xf32, #tpu.memory_space<vmem>>
    tpu.wait_dma2 semaphore(%arg10 : memref<!tpu.dma_semaphore, #tpu.memory_space<semaphore_mem>>) src(%dma_wait3A_134 : memref<64x64xf32, #tpu.memory_space<vmem>>) dst(%dma_wait3A_130 : memref<64x64xf32, #tpu.memory_space<hbm>>)
    %add3A_135 = arith.constant 6336 : i32
    %add3A_136 = arith.addi %mul3A_2, %add3A_135 : i32
    %dma_wait3A_137 = arith.constant 1 : i32
    %dma_wait3A_138 = arith.constant 4 : i32
    %dma_wait3A_139 = arith.constant 0 : i32
    %dma_wait3A_140 = arith.constant 0 : i32
    %dma_wait3A_141 = tpu.memref_slice %arg6[%dma_wait3A_137, %dma_wait3A_138, %dma_wait3A_139, %dma_wait3A_140] : memref<2x5x64x128xf32, #tpu.memory_space<vmem>> -> memref<1x1x64x64xf32, #tpu.memory_space<vmem>>
    %dma_wait3A_142 = tpu.memref_squeeze %dma_wait3A_141 : memref<1x1x64x64xf32, #tpu.memory_space<vmem>> -> memref<64x64xf32, #tpu.memory_space<vmem>>
    %dma_wait3A_143 = arith.constant 0 : i32
    %dma_wait3A_144 = tpu.memref_slice %arg4[%add3A_136, %dma_wait3A_143] : memref<204800x64xf32, #tpu.memory_space<hbm>> -> memref<64x64xf32, #tpu.memory_space<hbm>>
    %dma_wait3A_145 = arith.constant 0 : i32
    %dma_wait3A_146 = tpu.memref_slice %arg4[%add3A_136, %dma_wait3A_145] : memref<204800x64xf32, #tpu.memory_space<hbm>> -> memref<64x64xf32, #tpu.memory_space<hbm>>
    %dma_wait3A_147 = arith.constant 0 : i32
    %dma_wait3A_148 = arith.constant 0 : i32
    %dma_wait3A_149 = tpu.memref_slice %arg6[%dma_wait3A_137, %dma_wait3A_138, %dma_wait3A_147, %dma_wait3A_148] : memref<2x5x64x128xf32, #tpu.memory_space<vmem>> -> memref<1x1x64x64xf32, #tpu.memory_space<vmem>>
    %dma_wait3A_150 = tpu.memref_squeeze %dma_wait3A_149 : memref<1x1x64x64xf32, #tpu.memory_space<vmem>> -> memref<64x64xf32, #tpu.memory_space<vmem>>
    tpu.wait_dma2 semaphore(%arg10 : memref<!tpu.dma_semaphore, #tpu.memory_space<semaphore_mem>>) src(%dma_wait3A_150 : memref<64x64xf32, #tpu.memory_space<vmem>>) dst(%dma_wait3A_146 : memref<64x64xf32, #tpu.memory_space<hbm>>)
    return
  }
}

</mosaic_0001>

<sc_bundles>
// kernel: _sc_gather.3.cloned.1.call-start
scs
__scs_entry_jumppad:
0x0: {  	(pc) =	sbr.rel $0x88, $3  }
0x1: {  	(tag) =	ssettag $0x0;
	lr =	simm.s32 $0x1  }
0x2: {  	[smem:$0x3F9F] =	sst lr;
	_ =	strace $0xD0000000  }
0x3: {  	_ = 	snop  }
0x4: {  	_ = 	snop  }
0x5: {  	_ = 	snop  }
0x6: {  	_ = 	snop  }
0x7: {  	_ = 	snop  }
__scs_overlays_trampoline_lowered:
0x8: {  	[smem:$0x3FAE] =	sst s0  }
0x9: {  	[smem:$0x3FAF] =	sst s1  }
0xa: {  	[smem:$0x3FB0] =	sst s2  }
0xb: {  	[smem:$0x3FB1] =	sst s3  }
0xc: {  	[smem:$0x3FB2] =	sst s4  }
0xd: {  	[smem:$0x3FB3] =	sst s5  }
0xe: {  	[smem:$0x3FB4] =	sst s6  }
0xf: {  	[smem:$0x3FB5] =	sst s7  }
0x10: {  	[smem:$0x3FB6] =	sst s8  }
0x11: {  	[smem:$0x3FB7] =	sst s9;
	s0 =	simm.s32 @!p0 $0x0  }
0x12: {  	s1 =	sld [smem:$0x3F9D];
	s0 =	simm.s32 @p0 $0x1  }
0x13: {  	[smem:$0x3FB8] =	sst s0;
	s0 =	simm.s32 @!p1 $0x0  }
0x14: {  	s2 =	sld [smem:$0x3F9C];
	s0 =	simm.s32 @p1 $0x1  }
0x15: {  	[smem:$0x3FB9] =	sst s0;
	s0 =	simm.s32 @!p2 $0x0  }
0x16: {  	s3 =	sld [smem:$0x3FDB];
	s0 =	simm.s32 @p2 $0x1  }
0x17: {  	s4 =	simm.s32 $0x1BF5;
	[smem:$0x3FBB] =	sst s0  }
0x18: {  	s0 =	sld [smem:$0x3F9E];
	_ =	swait.ge [sflag:s4], $0x0  }
0x19: {  	s7 =	sld [smem:$0x3F9F]  }
0x1a: {  	s8 =	sadd.s32 $0xFFFFE003, lr  }
0x1b: {  	s9 =	sadd.s32 $0xFFFFFEF7, lr;
	s5 =	simm.s32 $0xFFFFFFFF;
	p2 =	slt.u32 s8, $0xFFFFF086  }
0x1c: {  	p1 =	slt.u32 s9, $0xF7A;
	s5 =	simm.s32 @!p2 $0x0  }
0x1d: {  	s5 =	simm.s32 @p1 $0x1;
	p0 =	seq.s32 s7, s2  }
0x1e: {  	s7 =	smul.u32 @!p0 $0xF7A, s2;
	p2 =	seq.s32 @!p0 s5, $0x0  }
0x1f: {  	s9 =	smul.u32 $0xF7A, s1;
	s8 =	simm.s32 @!p0 $0x1BF5;
	p2 =	por !p2, p0  }
0x20: {  	[sflag:s8] =	ssyncset.s32 @!p0 $0xFFFFF086;
	s6 =	sadd.s32 @!p0 s3, s7;
	s7 =	simm.s32 @!p0 $0x108  }
0x21: {  	s3 =	sadd.s32 s3, s9;
	s6 =	sadd.s32 @!p0 $0x88, s6;
	s7 =	simm.s32 @p2 $0x1082  }
0x22: {  	[simem:s7], [sflag:s8] =	dma.local @!p0 [hbm:s6], $0xF7A  }
0x23: {  	s9 =	sor.u32 $0xD0000000, s2;
	s6 =	simm.s32 $0x108;
	_ =	swait.ge @!p0 [sflag:s8], $0x0  }
0x24: {  	s3 =	sadd.s32 $0x88, s3;
	s6 =	simm.s32 @!p1 $0x1082;
	[sflag:s4] =	ssyncset.s32 $0xFFFFF086  }
0x25: {  	[simem:s6], [sflag:s4] =	dma.local [hbm:s3], $0xF7A  }
0x26: {  	[smem:$0x3F9F] =	sst s1;
	(tag) =	ssettag s2;
	_ =	strace s9  }
0x27: {  	s1 =	sld [smem:$0x3FAF]  }
0x28: {  	s2 =	sld [smem:$0x3FB0]  }
0x29: {  	s4 =	sld [smem:$0x3FB2]  }
0x2a: {  	p0 =	seq.s32 s5, $0x0;
	s5 =	sld [smem:$0x3FB3]  }
0x2b: {  	s6 =	sld [smem:$0x3FB4]  }
0x2c: {  	s7 =	sld [smem:$0x3FB5]  }
0x2d: {  	s3 =	simm.s32 $0x108;
	s8 =	sld [smem:$0x3FB6]  }
0x2e: {  	s3 =	simm.s32 @!p0 $0x1082;
	s9 =	sld [smem:$0x3FB7]  }
0x2f: {  	lr =	sadd.s32 s0, s3;
	s0 =	sld [smem:$0x3FAE]  }
0x30: {  	s3 =	sld [smem:$0x3FB1]  }
0x31: {  	[smem:$0x3FBA] =	sst s10  }
0x32: {  	s10 =	sld [smem:$0x3FB8];
	_ =	sdelay $0x3  }
0x33: {  	p0 =	seq.s32 s10, $0x1;
	s10 =	sld [smem:$0x3FBA];
	_ =	sdelay $0x3  }
0x34: {  	[smem:$0x3FBA] =	sst s10  }
0x35: {  	s10 =	sld [smem:$0x3FB9];
	_ =	sdelay $0x3  }
0x36: {  	p1 =	seq.s32 s10, $0x1;
	s10 =	sld [smem:$0x3FBA];
	_ =	sdelay $0x3  }
0x37: {  	[smem:$0x3FBA] =	sst s10  }
0x38: {  	s10 =	sld [smem:$0x3FBB]  }
0x39: {  	_ = 	snop;
	(pc) =	sbr.ind lr, $3  }
0x3a: {  	_ = 	snop  }
0x3b: {  	_ = 	snop  }
0x3c: {  	p2 =	seq.s32 s10, $0x1;
	s10 =	sld [smem:$0x3FBA]  }
0x3d: {  	_ =	shalt  }
0x3e: {  	_ =	shalt  }
0x3f: {  	_ =	shalt  }
0x40: {  	_ =	shalt  }
0x41: {  	_ =	shalt  }
0x42: {  	_ =	shalt  }
0x43: {  	_ =	shalt  }
0x44: {  	_ =	shalt  }
0x45: {  	_ =	shalt  }
0x46: {  	_ =	shalt  }
0x47: {  	_ =	shalt  }
0x48: {  	_ =	shalt  }
0x49: {  	_ =	shalt  }
0x4a: {  	_ =	shalt  }
0x4b: {  	_ =	shalt  }
0x4c: {  	_ =	shalt  }
0x4d: {  	_ =	shalt  }
0x4e: {  	_ =	shalt  }
0x4f: {  	_ =	shalt  }
0x50: {  	_ =	shalt  }
0x51: {  	_ =	shalt  }
0x52: {  	_ =	shalt  }
0x53: {  	_ =	shalt  }
0x54: {  	_ =	shalt  }
0x55: {  	_ =	shalt  }
0x56: {  	_ =	shalt  }
0x57: {  	_ =	shalt  }
0x58: {  	_ =	shalt  }
0x59: {  	_ =	shalt  }
0x5a: {  	_ =	shalt  }
0x5b: {  	_ =	shalt  }
0x5c: {  	_ =	shalt  }
0x5d: {  	_ =	shalt  }
0x5e: {  	_ =	shalt  }
0x5f: {  	_ =	shalt  }
0x60: {  	_ =	shalt  }
0x61: {  	_ =	shalt  }
0x62: {  	_ =	shalt  }
0x63: {  	_ =	shalt  }
0x64: {  	_ =	shalt  }
0x65: {  	_ =	shalt  }
0x66: {  	_ =	shalt  }
0x67: {  	_ =	shalt  }
0x68: {  	_ =	shalt  }
0x69: {  	_ =	shalt  }
0x6a: {  	_ =	shalt  }
0x6b: {  	_ =	shalt  }
0x6c: {  	_ =	shalt  }
0x6d: {  	_ =	shalt  }
0x6e: {  	_ =	shalt  }
0x6f: {  	_ =	shalt  }
0x70: {  	_ =	shalt  }
0x71: {  	_ =	shalt  }
0x72: {  	_ =	shalt  }
0x73: {  	_ =	shalt  }
0x74: {  	_ =	shalt  }
0x75: {  	_ =	shalt  }
0x76: {  	_ =	shalt  }
0x77: {  	_ =	shalt  }
0x78: {  	_ =	shalt  }
0x79: {  	_ =	shalt  }
0x7a: {  	_ =	shalt  }
0x7b: {  	_ =	shalt  }
0x7c: {  	_ =	shalt  }
0x7d: {  	_ =	shalt  }
0x7e: {  	_ =	shalt  }
0x7f: {  	_ =	shalt  }
0x80: {  	_ =	shalt  }
0x81: {  	_ =	shalt  }
0x82: {  	_ =	shalt  }
0x83: {  	_ =	shalt  }
0x84: {  	_ =	shalt  }
0x85: {  	_ =	shalt  }
0x86: {  	_ =	shalt  }
0x87: {  	_ =	shalt  }
.Lfunc_end0:
.L_simem_size_0:
called_computation.1_lowered:
.L_overlay_start_0:
0x88: {  	s2 =	sld [smem:$0x3FD9]  }
0x89: {  	s3 =	sld [smem:$0x3FFE];
	_ =	sdelay $0x1  }
0x8a: {  	s1 =	srdreg.scid  }
0x8b: {  	s0 =	sand.u32 $0x1, s1  }
0x8c: {  	s17 =	sshll.u32 s0, $0xA;
	s2 =	sadd.s32 s3, s2  }
0x8d: {  	s2 =	sadd.s32 s2, s17  }
0x8e: {  	[smem:$0x3FC6] =	sst s2  }
0x8f: {  	_ = 	snop  }
0x90: {  	s2 =	sld [smem:$0x3FC8]  }
0x91: {  	s18 =	sld [smem:$0x3FD0];
	(tm) =	ssettm $0x1  }
0x92: {  	s4 =	sld [smem:$0x3FFB];
	_ =	sdelay $0x3  }
0x93: {  	_ =	strace s4  }
0x94: {  	s4 =	sld [smem:$0x3FFC];
	_ =	sdelay $0x3  }
0x95: {  	_ =	strace s4  }
0x96: {  	s4 =	sld [smem:$0x3FFD];
	_ =	sdelay $0x3  }
0x97: {  	_ =	strace s4  }
0x98: {  	_ =	strace $0x8FFFFFFF  }
0x99: {  	s19 =	sld [smem:$0x3FDB];
	_ =	sdelay $0x1  }
0x9a: {  	s5 =	simm.s32 $_scs_section_size  }
0x9b: {  	s6 =	simm.s32 $_size__tile_overlayer_lowered;
	s7 =	simm.s32 $_tile_overlayer_lowered  }
0x9c: {  	s22 =	simm.s32 $0x1BFF;
	s21 =	sshll.u32 s7, $0x1;
	s4 =	sadd.s32 s5, s19  }
0x9d: {  	s8 =	simm.s32 $0x0;
	s20 =	sshll.u32 s6, $0x1;
	s6 =	sadd.s32 s21, s4  }
0x9e: {  	[timem:s8], [sflag:s22] =	dma.local [hbm:s6], s20  }
0x9f: {  	_ =	swait.ge [sflag:s22], s20  }
0xa0: {  	s5 =	ssub.s32 $0x0, s20;
	[sflag:s22] =	ssyncset.done $0x0  }
0xa1: {  	[sflag:s22] =	ssyncadd.s32 s5;
	_ =	sdelay $0x1  }
0xa2: {  	s23 =	simm.s32 $0x1B8B  }
0xa3: {  	_ =	swait.ge [sflag:s23], $0x1  }
0xa4: {  	[sflag:s23] =	ssyncset.done $0x0  }
0xa5: {  	s25 =	simm.s32 $0x1B8E;
	s24 =	sld [smem:$0x3FFE];
	[sflag:s23] =	ssyncadd.s32 $0xFFFFFFFF  }
0xa6: {  	s26 =	simm.s32 $execute0_lowered;
	[smem:$0x3FD2] =	sst s25  }
0xa7: {  	s6 =	sshll.u32 s26, $0x1;
	_ =	strace $0x80000046;
	[dreg:$0x1] =	wrdreg $0xFFFFFFFF  }
0xa8: {  	s28 =	simm.s32 $_size_execute0_lowered;
	s4 =	sadd.s32 s4, s6;
	[dreg:$0x0] =	wrdreg $0x0  }
0xa9: {  	s6 =	sshll.u32 s28, $0x1;
	[dreg:$0x2] =	wrdreg s4  }
0xaa: {  	[dreg:$0x3] =	wrdreg s6  }
0xab: {  	[dreg:$0x4] =	wrdreg $0xC0  }
0xac: {  	_ =	task [dreg:s8], $0x5FFFF  }
0xad: {  	[dreg:$0x1] =	wrdreg $0xFFFFFFFF  }
0xae: {  	[dreg:$0x0] =	wrdreg $0x60  }
0xaf: {  	[dreg:$0x2] =	wrdreg s24  }
0xb0: {  	[dreg:$0x3] =	wrdreg s2  }
0xb1: {  	[dreg:$0x4] =	wrdreg s18  }
0xb2: {  	[dreg:$0x5] =	wrdreg $0x9  }
0xb3: {  	_ =	task.clear_ibuf [dreg:s8], $0x6FFFF;
	_ =	strace $0x90000046  }
0xb4: {  	s29 =	simm.s32 $0x9;
	_ =	strace $0x80000048  }
0xb5: {  	_ =	swait.ge [sflag:s29], $0x1  }
0xb6: {  	[sflag:s29] =	ssyncadd.s32 $0xFFFFFFFF  }
0xb7: {  	_ =	strace $0x90000048  }
0xb8: {  	_ =	sfence  }
0xb9: {  	s30 =	sld [smem:$0x0];
	_ =	sdelay $0x2  }
0xba: {  	s31 =	sshll.u32 s1, $0xD;
	s1 =	sshrl.u32 s1, $0x2  }
0xbb: {  	s3 =	sand.u32 $0x4000, s31;
	s1 =	sadd.s32 s1, s30  }
0xbc: {  	s0 =	sor.u32 s3, s0;
	s1 =	sshll.u32 s1, $0x11  }
0xbd: {  	s0 =	sor.u32 s1, s0  }
0xbe: {  	s0 =	sadd.s32 $0x8F2B, s0  }
0xbf: {  	[sflag:s0] =	ssyncadd.remote.s32 $0x1  }
0xc0: {  	_ =	sfence.sel $0xFFFF  }
0xc1: {  	[dreg:$0x0] =	wrdreg $0xFFFFFFFF;
	(pc) =	sbr.abs _section_cstart, $3  }
0xc2: {  	[dreg:$0x1] =	wrdreg $0xFFFFFFFF  }
0xc3: {  	_ =	task.clear_ibuf [dreg:s8], $0x2FFFF;
	_ =	strace $0x9FFFFFFF  }
0xc4: {  	(tm) =	ssettm $0x7FFFFFFF  }
0xc5: {  	_ =	shalt  }
tec
execute0_lowered:
.L_overlay_start_1:
0x0: {  	(tag) =	ssettag $0x1  }
0x1: {  	s0 =	srdreg.scid  }
0x2: {  	s2 =	stileid.u32;
	s1 =	rddreg [dreg:$0x0]  }
0x3: {  	s5 =	simm.s32 $0x0;
	s13 =	simm.s32 $0x40;
	s22 =	simm.s32 $0x1  }
0x4: {  	s23 =	simm.s32 $0xB900;
	s24 =	simm.s32 $0xD900;
	s25 =	simm.s32 $0xF900  }
0x5: {  	s28 =	simm.s32 $0x13900;
	s29 =	simm.s32 $0x2;
	s30 =	simm.s32 $0x3  }
0x6: {  	s31 =	simm.s32 $0x4;
	s0 =	sand.u32 $0x1, s0;
	s3 =	sshll.u32 s2, $0x1  }
0x7: {  	s2 =	rddreg [dreg:$0x1];
	s4 =	sor.u32 s0, s3;
	s0 =	ssub.s32 $0x2, s0  }
0x8: {  	[smem:$0x7FF] =	sst s5;
	s4 =	smul.u32 $0x1900, s4;
	s26 =	sshrl.u32 s0, $0x1  }
0x9: {  	s3 =	rddreg [dreg:$0x2];
	_ =	strace $0x80000047;
	s0 =	ssub.s32 s0, s26  }
0xa: {  	s26 =	simm.s32 $0x11900;
	s6 =	sshrl.u32 s4, $0x3;
	s7 =	sor.u32 $0x40, s4  }
0xb: {  	s8 =	sor.u32 $0x80, s4;
	s0 =	smax.u32 s0, $0x1;
	s1 =	sadd.s32 s6, s1  }
0xc: {  	s9 =	sor.u32 $0xC0, s4;
	[dreg:$0x5] =	wrdreg s0;
	s1 =	sadd.s32 $0x800, s1  }
0xd: {  	s10 =	sadd.s32 $0x100, s4;
	[dreg:$0x4] =	wrdreg s1;
	s1 =	simm.s32 $0x0  }
.LBB2_1:
0xe: {  	s0 =	rddreg [dreg:$0x4];
	s14 =	simm.s32 $0x5  }
0xf: {  	[tilespmem:s5], [sflag:$0x5] =	stream.linear.gather [hbm4b:s0+s5], $0x1900, $0x38;
	[tilespmem:$0x15900] =	vst v63  }
0x10: {  	_ =	swait.ge [sflag:s14], $0x1900  }
0x11: {  	[sflag:s14] =	ssyncset.done $0x0  }
0x12: {  	s15 =	simm.s32 $0x1900;
	[sflag:s14] =	ssyncadd.s32 $0xFFFFE700  }
0x13: {  	[tilespmem:s15], [sflag:$0x1] =	stream.indirect.gather [hbm4b:s2+s13], $0x80, s5, s13, $0xb8;
	[tilespmem:$0x15900] =	vst v63  }
0x14: {  	s16 =	simm.s32 $0x3900  }
0x15: {  	[tilespmem:s16], [sflag:$0x1] =	stream.indirect.gather [hbm4b:s2+s13], $0x80, s13, s13, $0xb8;
	[tilespmem:$0x15900] =	vst v63  }
0x16: {  	s17 =	simm.s32 $0x80;
	s6 =	simm.s32 $0x5900  }
0x17: {  	[tilespmem:s6], [sflag:$0x1] =	stream.indirect.gather [hbm4b:s2+s13], $0x80, s17, s13, $0xb8;
	[tilespmem:$0x15900] =	vst v63  }
0x18: {  	s18 =	simm.s32 $0xC0;
	s19 =	simm.s32 $0x7900  }
0x19: {  	[tilespmem:s19], [sflag:$0x1] =	stream.indirect.gather [hbm4b:s2+s13], $0x80, s18, s13, $0xb8;
	[tilespmem:$0x15900] =	vst v63  }
0x1a: {  	s20 =	simm.s32 $0x100;
	s21 =	simm.s32 $0x9900;
	s0 =	simm.s32 $0x0  }
0x1b: {  	[tilespmem:s21], [sflag:$0x1] =	stream.indirect.gather [hbm4b:s2+s13], $0x80, s20, s13, $0xb8;
	[tilespmem:$0x15900] =	vst v63  }
.LBB2_2:
0x1c: {  	_ =	swait.ge [sflag:s22], $0x2000  }
0x1d: {  	[sflag:s22] =	ssyncset.done $0x0  }
0x1e: {  	[sflag:s22] =	ssyncadd.s32 $0xFFFFE000  }
0x1f: {  	_ =	swait.ge [sflag:s22], $0x2000  }
0x20: {  	[sflag:s22] =	ssyncset.done $0x0  }
0x21: {  	[sflag:s22] =	ssyncadd.s32 $0xFFFFE000  }
0x22: {  	_ =	swait.ge [sflag:s22], $0x2000  }
0x23: {  	[sflag:s22] =	ssyncset.done $0x0  }
0x24: {  	[sflag:s22] =	ssyncadd.s32 $0xFFFFE000  }
0x25: {  	_ =	swait.ge [sflag:s22], $0x2000  }
0x26: {  	[sflag:s22] =	ssyncset.done $0x0  }
0x27: {  	[sflag:s22] =	ssyncadd.s32 $0xFFFFE000  }
0x28: {  	_ =	swait.ge [sflag:s22], $0x2000  }
0x29: {  	p0 =	seq.s32 s0, $0x0;
	[sflag:s22] =	ssyncset.done $0x0  }
0x2a: {  	s6 =	simm.s32 @!p0 $0x4;
	[sflag:s22] =	ssyncadd.s32 $0xFFFFE000  }
0x2b: {  	_ =	swait.ge @!p0 [sflag:s6], $0x1000  }
0x2c: {  	[sflag:s6] =	ssyncset.done @!p0 $0x0  }
0x2d: {  	[sflag:s6] =	ssyncadd.s32 @!p0 $0xFFFFF000  }
0x2e: {  	_ =	swait.ge @!p0 [sflag:s6], $0x1000  }
0x2f: {  	[sflag:s6] =	ssyncset.done @!p0 $0x0  }
0x30: {  	[sflag:s6] =	ssyncadd.s32 @!p0 $0xFFFFF000  }
0x31: {  	_ =	swait.ge @!p0 [sflag:s6], $0x1000  }
0x32: {  	[sflag:s6] =	ssyncset.done @!p0 $0x0  }
0x33: {  	[sflag:s6] =	ssyncadd.s32 @!p0 $0xFFFFF000  }
0x34: {  	_ =	swait.ge @!p0 [sflag:s6], $0x1000  }
0x35: {  	s11 =	sshll.u32 s0, $0x1;
	[sflag:s6] =	ssyncset.done @!p0 $0x0  }
0x36: {  	s11 =	sor.u32 $0x1, s11;
	[sflag:s6] =	ssyncadd.s32 @!p0 $0xFFFFF000  }
0x37: {  	s12 =	smul.u32 $0x500, s11;
	_ =	swait.ge @!p0 [sflag:s6], $0x1000  }
0x38: {  	s19 =	smul.u32 $0x280, s0;
	[sflag:s6] =	ssyncset.done @!p0 $0x0  }
0x39: {  	s18 =	smul.u32 $0x140, s11;
	s20 =	sshra.s32 s12, $0x2;
	[sflag:s6] =	ssyncadd.s32 @!p0 $0xFFFFF000  }
0x3a: {  	[tilespmem:s23], [sflag:$0x2] =	stream.indirect.gather [hbm4b:s2+s13], $0x80, s20, s13, $0xb8;
	[tilespmem:$0x15900] =	vst v63  }
0x3b: {  	s21 =	sadd.s32 s4, s19;
	s17 =	sadd.s32 $0x40, s18  }
0x3c: {  	[tilespmem:s24], [sflag:$0x2] =	stream.indirect.gather [hbm4b:s2+s13], $0x80, s17, s13, $0xb8;
	[tilespmem:$0x15900] =	vst v63  }
0x3d: {  	s11 =	simm.s32 $0x1980;
	s16 =	sadd.s32 $0x80, s18;
	s6 =	sshll.u32 s21, $0x3  }
0x3e: {  	[tilespmem:s25], [sflag:$0x2] =	stream.indirect.gather [hbm4b:s2+s13], $0x80, s16, s13, $0xb8;
	[tilespmem:$0x15900] =	vst v63  }
0x3f: {  	s15 =	sadd.s32 $0xC0, s18;
	s14 =	sadd.s32 $0x100, s18;
	s20 =	sadd.s32 s3, s6  }
0x40: {  	[tilespmem:s26], [sflag:$0x2] =	stream.indirect.gather [hbm4b:s2+s13], $0x80, s15, s13, $0xb8;
	[tilespmem:$0x15900] =	vst v63  }
0x41: {  	s21 =	simm.s32 $0x1900;
	s6 =	simm.s32 $0x8;
	s12 =	sadd.s32 $0x0, s20  }
0x42: {  	[tilespmem:s28], [sflag:$0x2] =	stream.indirect.gather [hbm4b:s2+s13], $0x80, s14, s13, $0xb8;
	[tilespmem:$0x15900] =	vst v63  }
.LBB2_3:
0x43: {  	[hbm4b:s12+s5] =	stream.linear.scatter [tilespmem:s21], [sflag:$0x3], $0x40, $0x38;
	[tilespmem:$0x15900] =	vst v63  }
0x44: {  	s12 =	smov.u32 s6;
	s21 =	smov.u32 s11;
	p0 =	sne.s32 s6, $0x1F8  }
.Ltmp0:
0x45: {  	s6 =	sadd.s32 $0x8, s6;
	(pc) =	sbr.rel @p0 .LBB2_3-.Ltmp0, $2  }
0x46: {  	_ =	sdelay $0x2  }
0x47: {  	s11 =	sadd.s32 $0x80, s11;
	s12 =	sadd.s32 s12, s20  }
0x48: {  	[hbm4b:s12+s5] =	stream.linear.scatter [tilespmem:s21], [sflag:$0x3], $0x40, $0x38;
	[tilespmem:$0x15900] =	vst v63  }
0x49: {  	s6 =	sadd.s32 s19, s7  }
0x4a: {  	s6 =	sshll.u32 s6, $0x3  }
0x4b: {  	s6 =	sand.u32 $0x1FFFFE00, s6  }
0x4c: {  	s21 =	simm.s32 $0x3900;
	s20 =	sadd.s32 s3, s6  }
0x4d: {  	s11 =	simm.s32 $0x3980;
	s6 =	simm.s32 $0x8;
	s12 =	sadd.s32 $0x0, s20  }
.LBB2_5:
0x4e: {  	[hbm4b:s12+s5] =	stream.linear.scatter [tilespmem:s21], [sflag:$0x3], $0x40, $0x38;
	[tilespmem:$0x15900] =	vst v63  }
0x4f: {  	s12 =	smov.u32 s6;
	s21 =	smov.u32 s11;
	p0 =	sne.s32 s6, $0x1F8  }
.Ltmp1:
0x50: {  	s6 =	sadd.s32 $0x8, s6;
	(pc) =	sbr.rel @p0 .LBB2_5-.Ltmp1, $2  }
0x51: {  	_ =	sdelay $0x2  }
0x52: {  	s11 =	sadd.s32 $0x80, s11;
	s12 =	sadd.s32 s12, s20  }
0x53: {  	[hbm4b:s12+s5] =	stream.linear.scatter [tilespmem:s21], [sflag:$0x3], $0x40, $0x38;
	[tilespmem:$0x15900] =	vst v63  }
0x54: {  	s6 =	sadd.s32 s19, s8  }
0x55: {  	s6 =	sshll.u32 s6, $0x3  }
0x56: {  	s6 =	sand.u32 $0x1FFFFC00, s6  }
0x57: {  	s21 =	simm.s32 $0x5900;
	s20 =	sadd.s32 s3, s6  }
0x58: {  	s11 =	simm.s32 $0x5980;
	s6 =	simm.s32 $0x8;
	s12 =	sadd.s32 $0x0, s20  }
.LBB2_7:
0x59: {  	[hbm4b:s12+s5] =	stream.linear.scatter [tilespmem:s21], [sflag:$0x3], $0x40, $0x38;
	[tilespmem:$0x15900] =	vst v63  }
0x5a: {  	s12 =	smov.u32 s6;
	s21 =	smov.u32 s11;
	p0 =	sne.s32 s6, $0x1F8  }
.Ltmp2:
0x5b: {  	s6 =	sadd.s32 $0x8, s6;
	(pc) =	sbr.rel @p0 .LBB2_7-.Ltmp2, $2  }
0x5c: {  	_ =	sdelay $0x2  }
0x5d: {  	s11 =	sadd.s32 $0x80, s11;
	s12 =	sadd.s32 s12, s20  }
0x5e: {  	[hbm4b:s12+s5] =	stream.linear.scatter [tilespmem:s21], [sflag:$0x3], $0x40, $0x38;
	[tilespmem:$0x15900] =	vst v63  }
0x5f: {  	s6 =	sadd.s32 s19, s9  }
0x60: {  	s6 =	sshll.u32 s6, $0x3  }
0x61: {  	s6 =	sand.u32 $0x1FFFFE00, s6  }
0x62: {  	s21 =	simm.s32 $0x7900;
	s20 =	sadd.s32 s3, s6  }
0x63: {  	s11 =	simm.s32 $0x7980;
	s6 =	simm.s32 $0x8;
	s12 =	sadd.s32 $0x0, s20  }
.LBB2_9:
0x64: {  	[hbm4b:s12+s5] =	stream.linear.scatter [tilespmem:s21], [sflag:$0x3], $0x40, $0x38;
	[tilespmem:$0x15900] =	vst v63  }
0x65: {  	s12 =	smov.u32 s6;
	s21 =	smov.u32 s11;
	p0 =	sne.s32 s6, $0x1F8  }
.Ltmp3:
0x66: {  	s6 =	sadd.s32 $0x8, s6;
	(pc) =	sbr.rel @p0 .LBB2_9-.Ltmp3, $2  }
0x67: {  	_ =	sdelay $0x2  }
0x68: {  	s11 =	sadd.s32 $0x80, s11;
	s12 =	sadd.s32 s12, s20  }
0x69: {  	[hbm4b:s12+s5] =	stream.linear.scatter [tilespmem:s21], [sflag:$0x3], $0x40, $0x38;
	[tilespmem:$0x15900] =	vst v63  }
0x6a: {  	s6 =	sadd.s32 s19, s10  }
0x6b: {  	s6 =	sshll.u32 s6, $0x3  }
0x6c: {  	s6 =	sand.u32 $0x1FFFFC00, s6  }
0x6d: {  	s20 =	simm.s32 $0x9900;
	s19 =	sadd.s32 s3, s6  }
0x6e: {  	s11 =	simm.s32 $0x9980;
	s6 =	simm.s32 $0x8;
	s12 =	sadd.s32 $0x0, s19  }
.LBB2_11:
0x6f: {  	[hbm4b:s12+s5] =	stream.linear.scatter [tilespmem:s20], [sflag:$0x3], $0x40, $0x38;
	[tilespmem:$0x15900] =	vst v63  }
0x70: {  	s12 =	smov.u32 s6;
	s20 =	smov.u32 s11;
	p0 =	sne.s32 s6, $0x1F8  }
.Ltmp4:
0x71: {  	s6 =	sadd.s32 $0x8, s6;
	(pc) =	sbr.rel @p0 .LBB2_11-.Ltmp4, $2  }
0x72: {  	_ =	sdelay $0x2  }
0x73: {  	s11 =	sadd.s32 $0x80, s11;
	s12 =	sadd.s32 s12, s19  }
0x74: {  	[hbm4b:s12+s5] =	stream.linear.scatter [tilespmem:s20], [sflag:$0x3], $0x40, $0x38;
	[tilespmem:$0x15900] =	vst v63  }
0x75: {  	_ =	swait.ge [sflag:s29], $0x2000  }
0x76: {  	[sflag:s29] =	ssyncset.done $0x0  }
0x77: {  	[sflag:s29] =	ssyncadd.s32 $0xFFFFE000  }
0x78: {  	_ =	swait.ge [sflag:s29], $0x2000  }
0x79: {  	[sflag:s29] =	ssyncset.done $0x0  }
0x7a: {  	[sflag:s29] =	ssyncadd.s32 $0xFFFFE000  }
0x7b: {  	_ =	swait.ge [sflag:s29], $0x2000  }
0x7c: {  	[sflag:s29] =	ssyncset.done $0x0  }
0x7d: {  	[sflag:s29] =	ssyncadd.s32 $0xFFFFE000  }
0x7e: {  	_ =	swait.ge [sflag:s29], $0x2000  }
0x7f: {  	[sflag:s29] =	ssyncset.done $0x0  }
0x80: {  	[sflag:s29] =	ssyncadd.s32 $0xFFFFE000  }
0x81: {  	_ =	swait.ge [sflag:s29], $0x2000  }
0x82: {  	[sflag:s29] =	ssyncset.done $0x0  }
0x83: {  	[sflag:s29] =	ssyncadd.s32 $0xFFFFE000  }
0x84: {  	_ =	swait.ge [sflag:s30], $0x1000  }
0x85: {  	[sflag:s30] =	ssyncset.done $0x0  }
0x86: {  	[sflag:s30] =	ssyncadd.s32 $0xFFFFF000  }
0x87: {  	_ =	swait.ge [sflag:s30], $0x1000  }
0x88: {  	[sflag:s30] =	ssyncset.done $0x0  }
0x89: {  	[sflag:s30] =	ssyncadd.s32 $0xFFFFF000  }
0x8a: {  	_ =	swait.ge [sflag:s30], $0x1000  }
0x8b: {  	[sflag:s30] =	ssyncset.done $0x0  }
0x8c: {  	[sflag:s30] =	ssyncadd.s32 $0xFFFFF000  }
0x8d: {  	_ =	swait.ge [sflag:s30], $0x1000  }
0x8e: {  	p0 =	seq.s32 s0, $0x9;
	[sflag:s30] =	ssyncset.done $0x0  }
0x8f: {  	s6 =	smul.u32 @!p0 $0xA00, s0;
	[sflag:s30] =	ssyncadd.s32 $0xFFFFF000  }
0x90: {  	_ =	swait.ge [sflag:s30], $0x1000  }
0x91: {  	s12 =	simm.s32 @!p0 $0x40;
	s6 =	sshra.s32 @!p0 s6, $0x2;
	[sflag:s30] =	ssyncset.done $0x0  }
0x92: {  	s19 =	simm.s32 @!p0 $0x1900;
	s11 =	sadd.s32 @!p0 $0x280, s6;
	[sflag:s30] =	ssyncadd.s32 $0xFFFFF000  }
0x93: {  	[tilespmem:s19], [sflag:$0x1] =	stream.indirect.gather @!p0 [hbm4b:s2+s12], $0x80, s11, s12, $0xb8;
	[tilespmem:$0x15900] =	vst v63  }
0x94: {  	s11 =	sadd.s32 @!p0 $0x2C0, s6;
	s19 =	simm.s32 @!p0 $0x3900  }
0x95: {  	[tilespmem:s19], [sflag:$0x1] =	stream.indirect.gather @!p0 [hbm4b:s2+s12], $0x80, s11, s12, $0xb8;
	[tilespmem:$0x15900] =	vst v63  }
0x96: {  	s11 =	sadd.s32 @!p0 $0x300, s6;
	s19 =	simm.s32 @!p0 $0x5900  }
0x97: {  	[tilespmem:s19], [sflag:$0x1] =	stream.indirect.gather @!p0 [hbm4b:s2+s12], $0x80, s11, s12, $0xb8;
	[tilespmem:$0x15900] =	vst v63  }
0x98: {  	s11 =	sadd.s32 @!p0 $0x340, s6;
	s19 =	simm.s32 @!p0 $0x7900  }
0x99: {  	[tilespmem:s19], [sflag:$0x1] =	stream.indirect.gather @!p0 [hbm4b:s2+s12], $0x80, s11, s12, $0xb8;
	[tilespmem:$0x15900] =	vst v63  }
0x9a: {  	s21 =	sadd.s32 s4, s18;
	s6 =	sadd.s32 @!p0 $0x380, s6;
	s11 =	simm.s32 @!p0 $0x9900  }
0x9b: {  	[tilespmem:s11], [sflag:$0x1] =	stream.indirect.gather @!p0 [hbm4b:s2+s12], $0x80, s6, s12, $0xb8;
	[tilespmem:$0x15900] =	vst v63  }
0x9c: {  	s6 =	sshll.u32 s21, $0x3  }
0x9d: {  	s6 =	sand.u32 $0x1FFFFE00, s6  }
0x9e: {  	s19 =	simm.s32 $0xB900;
	s18 =	sadd.s32 s3, s6  }
0x9f: {  	s11 =	simm.s32 $0xB980;
	s6 =	simm.s32 $0x8;
	s12 =	sadd.s32 $0x0, s18  }
.LBB2_13:
0xa0: {  	[hbm4b:s12+s5] =	stream.linear.scatter [tilespmem:s19], [sflag:$0x4], $0x40, $0x38;
	[tilespmem:$0x15900] =	vst v63  }
0xa1: {  	s12 =	smov.u32 s6;
	s19 =	smov.u32 s11;
	p0 =	sne.s32 s6, $0x1F8  }
.Ltmp5:
0xa2: {  	s6 =	sadd.s32 $0x8, s6;
	(pc) =	sbr.rel @p0 .LBB2_13-.Ltmp5, $2  }
0xa3: {  	_ =	sdelay $0x2  }
0xa4: {  	s11 =	sadd.s32 $0x80, s11;
	s12 =	sadd.s32 s12, s18  }
0xa5: {  	[hbm4b:s12+s5] =	stream.linear.scatter [tilespmem:s19], [sflag:$0x4], $0x40, $0x38;
	[tilespmem:$0x15900] =	vst v63  }
0xa6: {  	s6 =	sadd.s32 s4, s17  }
0xa7: {  	s6 =	sshll.u32 s6, $0x3  }
0xa8: {  	s6 =	sand.u32 $0x1FFFFC00, s6  }
0xa9: {  	s18 =	simm.s32 $0xD900;
	s17 =	sadd.s32 s3, s6  }
0xaa: {  	s11 =	simm.s32 $0xD980;
	s6 =	simm.s32 $0x8;
	s12 =	sadd.s32 $0x0, s17  }
.LBB2_15:
0xab: {  	[hbm4b:s12+s5] =	stream.linear.scatter [tilespmem:s18], [sflag:$0x4], $0x40, $0x38;
	[tilespmem:$0x15900] =	vst v63  }
0xac: {  	s12 =	smov.u32 s6;
	s18 =	smov.u32 s11;
	p0 =	sne.s32 s6, $0x1F8  }
.Ltmp6:
0xad: {  	s6 =	sadd.s32 $0x8, s6;
	(pc) =	sbr.rel @p0 .LBB2_15-.Ltmp6, $2  }
0xae: {  	_ =	sdelay $0x2  }
0xaf: {  	s11 =	sadd.s32 $0x80, s11;
	s12 =	sadd.s32 s12, s17  }
0xb0: {  	[hbm4b:s12+s5] =	stream.linear.scatter [tilespmem:s18], [sflag:$0x4], $0x40, $0x38;
	[tilespmem:$0x15900] =	vst v63  }
0xb1: {  	s6 =	sadd.s32 s4, s16  }
0xb2: {  	s6 =	sshll.u32 s6, $0x3  }
0xb3: {  	s6 =	sand.u32 $0x1FFFFE00, s6  }
0xb4: {  	s17 =	simm.s32 $0xF900;
	s16 =	sadd.s32 s3, s6  }
0xb5: {  	s11 =	simm.s32 $0xF980;
	s6 =	simm.s32 $0x8;
	s12 =	sadd.s32 $0x0, s16  }
.LBB2_17:
0xb6: {  	[hbm4b:s12+s5] =	stream.linear.scatter [tilespmem:s17], [sflag:$0x4], $0x40, $0x38;
	[tilespmem:$0x15900] =	vst v63  }
0xb7: {  	s12 =	smov.u32 s6;
	s17 =	smov.u32 s11;
	p0 =	sne.s32 s6, $0x1F8  }
.Ltmp7:
0xb8: {  	s6 =	sadd.s32 $0x8, s6;
	(pc) =	sbr.rel @p0 .LBB2_17-.Ltmp7, $2  }
0xb9: {  	_ =	sdelay $0x2  }
0xba: {  	s11 =	sadd.s32 $0x80, s11;
	s12 =	sadd.s32 s12, s16  }
0xbb: {  	[hbm4b:s12+s5] =	stream.linear.scatter [tilespmem:s17], [sflag:$0x4], $0x40, $0x38;
	[tilespmem:$0x15900] =	vst v63  }
0xbc: {  	s6 =	sadd.s32 s4, s15  }
0xbd: {  	s6 =	sshll.u32 s6, $0x3  }
0xbe: {  	s6 =	sand.u32 $0x1FFFFC00, s6  }
0xbf: {  	s16 =	simm.s32 $0x11900;
	s15 =	sadd.s32 s3, s6  }
0xc0: {  	s11 =	simm.s32 $0x11980;
	s6 =	simm.s32 $0x8;
	s12 =	sadd.s32 $0x0, s15  }
.LBB2_19:
0xc1: {  	[hbm4b:s12+s5] =	stream.linear.scatter [tilespmem:s16], [sflag:$0x4], $0x40, $0x38;
	[tilespmem:$0x15900] =	vst v63  }
0xc2: {  	s12 =	smov.u32 s6;
	s16 =	smov.u32 s11;
	p0 =	sne.s32 s6, $0x1F8  }
.Ltmp8:
0xc3: {  	s6 =	sadd.s32 $0x8, s6;
	(pc) =	sbr.rel @p0 .LBB2_19-.Ltmp8, $2  }
0xc4: {  	_ =	sdelay $0x2  }
0xc5: {  	s11 =	sadd.s32 $0x80, s11;
	s12 =	sadd.s32 s12, s15  }
0xc6: {  	[hbm4b:s12+s5] =	stream.linear.scatter [tilespmem:s16], [sflag:$0x4], $0x40, $0x38;
	[tilespmem:$0x15900] =	vst v63  }
0xc7: {  	s6 =	sadd.s32 s4, s14  }
0xc8: {  	s6 =	sshll.u32 s6, $0x3  }
0xc9: {  	s6 =	sand.u32 $0x1FFFFE00, s6  }
0xca: {  	s15 =	simm.s32 $0x13900;
	s14 =	sadd.s32 s3, s6  }
0xcb: {  	s11 =	simm.s32 $0x13980;
	s6 =	simm.s32 $0x8;
	s12 =	sadd.s32 $0x0, s14  }
.LBB2_21:
0xcc: {  	[hbm4b:s12+s5] =	stream.linear.scatter [tilespmem:s15], [sflag:$0x4], $0x40, $0x38;
	[tilespmem:$0x15900] =	vst v63  }
0xcd: {  	s12 =	smov.u32 s6;
	s15 =	smov.u32 s11;
	p0 =	sne.s32 s6, $0x1F8  }
.Ltmp9:
0xce: {  	s6 =	sadd.s32 $0x8, s6;
	(pc) =	sbr.rel @p0 .LBB2_21-.Ltmp9, $2  }
0xcf: {  	_ =	sdelay $0x2  }
0xd0: {  	s11 =	sadd.s32 $0x80, s11;
	s12 =	sadd.s32 s12, s14  }
0xd1: {  	s0 =	sadd.s32 $0x1, s0  }
0xd2: {  	p0 =	sne.s32 s0, $0xA  }
.Ltmp10:
0xd3: {  	_ = 	snop;
	(pc) =	sbr.rel @p0 .LBB2_2-.Ltmp10, $2  }
0xd4: {  	_ =	sdelay $0x2  }
0xd5: {  	[hbm4b:s12+s5] =	stream.linear.scatter [tilespmem:s15], [sflag:$0x4], $0x40, $0x38;
	[tilespmem:$0x15900] =	vst v63  }
0xd6: {  	_ =	swait.ge [sflag:s31], $0x1000  }
0xd7: {  	[sflag:s31] =	ssyncset.done $0x0  }
0xd8: {  	[sflag:s31] =	ssyncadd.s32 $0xFFFFF000  }
0xd9: {  	_ =	swait.ge [sflag:s31], $0x1000  }
0xda: {  	[sflag:s31] =	ssyncset.done $0x0  }
0xdb: {  	[sflag:s31] =	ssyncadd.s32 $0xFFFFF000  }
0xdc: {  	_ =	swait.ge [sflag:s31], $0x1000  }
0xdd: {  	[sflag:s31] =	ssyncset.done $0x0  }
0xde: {  	[sflag:s31] =	ssyncadd.s32 $0xFFFFF000  }
0xdf: {  	_ =	swait.ge [sflag:s31], $0x1000  }
0xe0: {  	[sflag:s31] =	ssyncset.done $0x0  }
0xe1: {  	[sflag:s31] =	ssyncadd.s32 $0xFFFFF000  }
0xe2: {  	_ =	swait.ge [sflag:s31], $0x1000  }
0xe3: {  	s1 =	sadd.s32 $0x1, s1;
	s0 =	rddreg [dreg:$0x5]  }
0xe4: {  	p0 =	sne.s32 s1, s0  }
.Ltmp11:
0xe5: {  	_ = 	snop;
	(pc) =	sbr.rel @p0 .LBB2_1-.Ltmp11, $3  }
0xe6: {  	_ =	sdelay $0x1  }
0xe7: {  	[sflag:s31] =	ssyncset.done $0x0  }
0xe8: {  	[sflag:s31] =	ssyncadd.s32 $0xFFFFF000  }
0xe9: {  	_ =	sfence.sel $0x180000  }
0xea: {  	[bflag:$0x0] =	sbarrier.arrive $0xFFFF  }
0xeb: {  	_ =	strace $0x90000047  }
0xec: {  	s0 =	stileid.u32;
	[bflag:$0x2] =	sbarrier.arrive $0xFFFF  }
0xed: {  	p0 =	sne.s32 s0, $0x0;
	s0 =	rddreg [dreg:$0x3]  }
0xee: {  	s0 =	sadd.s32 @!p0 $0x100000, s0  }
0xef: {  	[sflag:s0] =	ssyncadd.tile.s32 @!p0 $0x1;
	_ =	shalt  }
.Lfunc_end2:
_tile_overlayer_lowered:
.L_overlay_start_2:
0xf0: {  	(tag) =	ssettag $0x2  }
0xf1: {  	s0 =	rddreg [dreg:$0x0];
	s2 =	stileid.u32  }
0xf2: {  	s1 =	rddreg [dreg:$0x1];
	p0 =	sne.s32 s2, $0x0  }
0xf3: {  	s3 =	rddreg [dreg:$0x2];
	[bflag:$0x3] =	sbarrier.arrive $0xFFFF;
	s2 =	simm.s32 @!p0 $0x1C05  }
0xf4: {  	[timem:s3], [sflag:s2] =	dma.local @!p0 [hbm:s0], s1  }
0xf5: {  	s0 =	simm.s32 @!p0 $0x5  }
0xf6: {  	_ =	swait.ge @!p0 [sflag:s0], s1  }
0xf7: {  	s1 =	ssub.s32 @!p0 $0x0, s1;
	[sflag:s0] =	ssyncset.done @!p0 $0x0  }
0xf8: {  	[sflag:s0] =	ssyncadd.s32 @!p0 s1  }
0xf9: {  	[bflag:$0x3] =	sbarrier.arrive $0xFFFF  }
0xfa: {  	_ =	shalt  }

// kernel: sparse-core-data-format-call.cloned.1.call-start
scs
called_computation_lowered:
.L_overlay_start_0:
0x0: {  	s2 =	sld [smem:$0x3FD9]  }
0x1: {  	s3 =	sld [smem:$0x3FFE];
	_ =	sdelay $0x1  }
0x2: {  	s1 =	srdreg.scid  }
0x3: {  	s0 =	sand.u32 $0x1, s1  }
0x4: {  	s18 =	sshll.u32 s0, $0xA;
	s2 =	sadd.s32 s3, s2  }
0x5: {  	s2 =	sadd.s32 s2, s18  }
0x6: {  	[smem:$0x3FC6] =	sst s2  }
0x7: {  	_ = 	snop  }
0x8: {  	s2 =	sld [smem:$0x3FD0];
	(tm) =	ssettm $0x1  }
0x9: {  	s19 =	sld [smem:$0x3FFB];
	_ =	sdelay $0x3  }
0xa: {  	_ =	strace s19  }
0xb: {  	s3 =	sld [smem:$0x3FFC];
	_ =	sdelay $0x3  }
0xc: {  	_ =	strace s3  }
0xd: {  	s3 =	sld [smem:$0x3FFD];
	_ =	sdelay $0x3  }
0xe: {  	_ =	strace s3  }
0xf: {  	_ =	strace $0x8FFFFFFF  }
0x10: {  	s20 =	sld [smem:$0x3FDB];
	_ =	sdelay $0x1  }
0x11: {  	s4 =	simm.s32 $_scs_section_size  }
0x12: {  	s5 =	simm.s32 $_size__tile_overlayer_lowered;
	s6 =	simm.s32 $_tile_overlayer_lowered  }
0x13: {  	s23 =	simm.s32 $0x1BFF;
	s22 =	sshll.u32 s6, $0x1;
	s3 =	sadd.s32 s4, s20  }
0x14: {  	s7 =	simm.s32 $0x0;
	s21 =	sshll.u32 s5, $0x1;
	s5 =	sadd.s32 s22, s3  }
0x15: {  	[timem:s7], [sflag:s23] =	dma.local [hbm:s5], s21  }
0x16: {  	_ =	swait.ge [sflag:s23], s21  }
0x17: {  	s4 =	ssub.s32 $0x0, s21;
	[sflag:s23] =	ssyncset.done $0x0  }
0x18: {  	[sflag:s23] =	ssyncadd.s32 s4;
	_ =	sdelay $0x1  }
0x19: {  	s24 =	simm.s32 $0x1B8B  }
0x1a: {  	_ =	swait.ge [sflag:s24], $0x1  }
0x1b: {  	[sflag:s24] =	ssyncset.done $0x0  }
0x1c: {  	s26 =	simm.s32 $0x1B8E;
	s25 =	sld [smem:$0x3FFE];
	[sflag:s24] =	ssyncadd.s32 $0xFFFFFFFF  }
0x1d: {  	s27 =	simm.s32 $execute0_lowered;
	[smem:$0x3FD2] =	sst s26  }
0x1e: {  	s5 =	sshll.u32 s27, $0x1;
	_ =	strace $0x80000049;
	[dreg:$0x1] =	wrdreg $0xFFFFFFFF  }
0x1f: {  	s28 =	simm.s32 $_size_execute0_lowered;
	s3 =	sadd.s32 s3, s5;
	[dreg:$0x0] =	wrdreg $0x0  }
0x20: {  	s5 =	sshll.u32 s28, $0x1;
	[dreg:$0x2] =	wrdreg s3  }
0x21: {  	[dreg:$0x3] =	wrdreg s5  }
0x22: {  	[dreg:$0x4] =	wrdreg $0xC0  }
0x23: {  	_ =	task [dreg:s7], $0x5FFFF  }
0x24: {  	[dreg:$0x1] =	wrdreg $0xFFFFFFFF  }
0x25: {  	[dreg:$0x0] =	wrdreg $0x60  }
0x26: {  	[dreg:$0x2] =	wrdreg s25  }
0x27: {  	[dreg:$0x3] =	wrdreg s2  }
0x28: {  	[dreg:$0x4] =	wrdreg $0x9  }
0x29: {  	_ =	task.clear_ibuf [dreg:s7], $0x5FFFF;
	_ =	strace $0x90000049  }
0x2a: {  	s29 =	simm.s32 $0x9;
	_ =	strace $0x8000004B  }
0x2b: {  	_ =	swait.ge [sflag:s29], $0x1  }
0x2c: {  	[sflag:s29] =	ssyncadd.s32 $0xFFFFFFFF  }
0x2d: {  	_ =	strace $0x9000004B  }
0x2e: {  	_ =	sfence  }
0x2f: {  	s30 =	sld [smem:$0x0];
	_ =	sdelay $0x2  }
0x30: {  	s31 =	sshll.u32 s1, $0xD;
	s1 =	sshrl.u32 s1, $0x2  }
0x31: {  	s3 =	sand.u32 $0x4000, s31;
	s1 =	sadd.s32 s1, s30  }
0x32: {  	s0 =	sor.u32 s3, s0;
	s1 =	sshll.u32 s1, $0x11  }
0x33: {  	s0 =	sor.u32 s1, s0  }
0x34: {  	s0 =	sadd.s32 $0x8F2B, s0  }
0x35: {  	[sflag:s0] =	ssyncadd.remote.s32 $0x1  }
0x36: {  	_ =	sfence.sel $0xFFFF  }
0x37: {  	[dreg:$0x0] =	wrdreg $0xFFFFFFFF;
	(pc) =	sbr.abs _section_cstart, $3  }
0x38: {  	[dreg:$0x1] =	wrdreg $0xFFFFFFFF  }
0x39: {  	_ =	task.clear_ibuf [dreg:s7], $0x2FFFF;
	_ =	strace $0x9FFFFFFF  }
0x3a: {  	(tm) =	ssettm $0x7FFFFFFF  }
0x3b: {  	_ =	shalt  }
tec
execute0_lowered:
.L_overlay_start_1:
0x0: {  	(tag) =	ssettag $0x1  }
0x1: {  	s0 =	srdreg.scid  }
0x2: {  	s1 =	sshll.u32 s0, $0x4  }
0x3: {  	s4 =	rddreg [dreg:$0x0];
	s0 =	stileid.u32;
	s1 =	sand.u32 $0x10, s1  }
0x4: {  	s2 =	rddreg [dreg:$0x1];
	s7 =	simm.s32 $0x1;
	s1 =	sor.u32 s0, s1  }
0x5: {  	s8 =	simm.s32 $0x2;
	s11 =	simm.s32 $0x0;
	s3 =	sshll.u32 s1, $0x7  }
0x6: {  	s10 =	simm.s32 $0x0;
	s4 =	sadd.s32 $0x800, s4;
	s6 =	ssub.s32 $0x32000, s3  }
.Ltmp0:
0x7: {  	s1 =	rddreg [dreg:$0x2];
	s5 =	sand.u32 $0xF80, s6;
	(pc) =	sbr.rel .LBB1_1-.Ltmp0, $4  }
0x8: {  	_ =	strace $0x8000004A;
	s9 =	smov.u32 s3;
	p0 =	sne.s32 s5, $0x0  }
0x9: {  	s6 =	sshrl.u32 s6, $0xC;
	s5 =	simm.s32 $0x1;
	s7 =	simm.s32 @!p0 $0x0  }
0xa: {  	[sflag:s5] =	ssyncpa.u1 $0x0;
	p0 =	por $0x0, $0x0;
	s6 =	sadd.s32 s7, s6  }
0xb: {  	[sflag:s8] =	ssyncpa.u1 $0x0;
	s8 =	simm.s32 $0x190000;
	s7 =	sadd.s32 $0x1, s6  }
.LBB1_4:
0xc: {  	s14 =	sshll.u32 s11, $0x3  }
0xd: {  	s30 =	sand.u32 $0x7F, s11;
	s15 =	sand.u32 $0xFFFFFC00, s14  }
0xe: {  	s11 =	sor.u32 s30, s15  }
0xf: {  	s15 =	smulhi.u32 $0x51EB851F, s11  }
0x10: {  	s14 =	smulhi.u32 $0x51EB851F, s14  }
0x11: {  	s15 =	sshrl.u32 s15, $0x10  }
0x12: {  	s14 =	sshrl.u32 s14, $0x10;
	s15 =	smul.u32 $0x32000, s15  }
0x13: {  	s14 =	sand.u32 $0x3F, s14  }
0x14: {  	s14 =	smul.u32 $0x6400, s14;
	s11 =	ssub.s32 s11, s15  }
0x15: {  	[tilespmem:s13+$0x810 ss:$0x81] =	vst.msk $0xffff, v2;
	s15 =	sand.u32 $0x7, s11  }
0x16: {  	[tilespmem:s13+$0x1020 ss:$0x81] =	vst.msk $0xffff, v0;
	s14 =	sadd.s32 s2, s14;
	s11 =	sshrl.u32 s11, $0x3;
	s15 =	sshll.u32 s15, $0x12  }
0x17: {  	[tilespmem:s13+$0x0 ss:$0x81] =	vst.msk $0xffff, v1;
	s11 =	sadd.s32 s11, s14;
	s31 =	sor.u32 $0x400, s15  }
0x18: {  	[hbm4b:s11+s31] =	stream.strided.scatter [tilespmem:s12], [sflag:$0x2], $0x2000, s8, s31, $0x20;
	[tilespmem:$0x8080] =	vst v63  }
.LBB1_5:
0x19: {  	s13 =	sadd.s32 $0x1000, s9  }
0x1a: {  	p2 =	sgt.s32 s13, $0x31FFF  }
0x1b: {  	s13 =	smov.u32 @p2 s3;
	p2 =	sne.s32 s10, s7  }
.Ltmp1:
0x1c: {  	p1 =	slt.u32 s10, $0x2;
	(pc) =	sbr.rel @!p2 .LBB1_6-.Ltmp1, $4  }
0x1d: {  	s12 =	simm.s32 @!p1 $0x2  }
0x1e: {  	s14 =	sadd.s32 $0x1, s10;
	_ =	swait.ge @!p1 [sflag:s12], $0x2000  }
0x1f: {  	s11 =	smov.u32 s9;
	p0 =	por !p0, !p0;
	[sflag:s12] =	ssyncset.done @!p1 $0x0  }
0x20: {  	s10 =	smov.u32 s14;
	s9 =	smov.u32 s13;
	[sflag:s12] =	ssyncadd.s32 @!p1 $0xFFFFE000  }
.LBB1_1:
0x21: {  	p1 =	sge.u32 s10, s6  }
0x22: {  	s12 =	sand.u32 @!p1 $0x1FFFFFF, s9  }
0x23: {  	s13 =	smulhi.u32 @!p1 $0x147AE15, s12;
	_ =	sdelay $0x1  }
0x24: {  	s13 =	sshrl.u32 @!p1 s13, $0xA  }
0x25: {  	s13 =	smul.u32 @!p1 $0x32000, s13;
	_ =	sdelay $0x1  }
0x26: {  	s31 =	sadd.s32 $0xFFFFFFFF, s10;
	s14 =	sxor.u32 @!p1 $0xFFFFFFFF, s10;
	s12 =	ssub.s32 @!p1 s12, s13  }
0x27: {  	s15 =	simm.s32 @!p1 $0x80;
	s14 =	sshll.u32 @!p1 s14, $0xD;
	s12 =	sshll.u32 @!p1 s12, $0x4  }
0x28: {  	s13 =	sand.u32 @!p1 $0x2000, s14;
	s14 =	simm.s32 @!p1 $0x40;
	s12 =	sadd.s32 @!p1 s4, s12  }
0x29: {  	[tilespmem:s13], [sflag:$0x1] =	stream.strided.gather @!p1 [hbm4b:s12+s14], $0x2000, s15, s14, $0x38;
	[tilespmem:$0x8080] =	vst v63  }
0x2a: {  	p1 =	sge.u32 s31, s6  }
.Ltmp2:
0x2b: {  	_ = 	snop;
	(pc) =	sbr.rel @p1 .LBB1_5-.Ltmp2, $1  }
0x2c: {  	_ =	sdelay $0x3  }
0x2d: {  	s12 =	simm.s32 $0x1  }
0x2e: {  	_ =	swait.ge [sflag:s5], $0x2000;
	s12 =	simm.s32 @!p0 $0x0  }
0x2f: {  	[sflag:s5] =	ssyncset.done $0x0;
	s13 =	sshll.u32 s12, $0xD  }
0x30: {  	[sflag:s5] =	ssyncadd.s32 $0xFFFFE000;
	s16 =	sor.u32 $0x20, s13  }
0x31: {  	s12 =	smul.u32 $0x8100, s12;
	v3 =	vld [tilespmem:s16+$0x10]  }
0x32: {  	s30 =	sand.u32 $0x1, s10;
	v2 =	vld [tilespmem:s16+$0xFFFFFFF0]  }
0x33: {  	s13 =	smul.u32 $0x8100, s30;
	s12 =	sshrl.u32 s12, $0x2;
	v0 =	vld [tilespmem:s16+$0x0]  }
0x34: {  	v1 =	vld [tilespmem:s16+$0xFFFFFFE0];
	s14 =	sor.u32 $0x4000, s12  }
0x35: {  	s31 =	sshrl.u32 s13, $0x2;
	s13 =	sadd.s32 $0x0, s14  }
0x36: {  	s15 =	simm.s32 $0x4;
	s16 =	sadd.s32 $0x40, s16;
	s12 =	sor.u32 $0x4000, s31;
	[tilespmem:s13+$0x1830 ss:$0x81] =	vst.msk $0xffff, v3  }
.LBB1_3:
0x37: {  	v3 =	vld [tilespmem:s16+$0x10];
	p1 =	sne.s32 s15, $0x1FC;
	[tilespmem:s13+$0x810 ss:$0x81] =	vst.msk $0xffff, v2;
	s17 =	smov.u32 s15;
	s15 =	sadd.s32 $0x4, s15  }
.Ltmp3:
0x38: {  	v2 =	vld [tilespmem:s16+$0xFFFFFFF0];
	[tilespmem:s13+$0x1020 ss:$0x81] =	vst.msk $0xffff, v0;
	(pc) =	sbr.rel @p1 .LBB1_3-.Ltmp3, $4  }
0x39: {  	v0 =	vld [tilespmem:s16+$0x0];
	[tilespmem:s13+$0x0 ss:$0x81] =	vst.msk $0xffff, v1  }
0x3a: {  	s13 =	sshra.s32 s17, $0x2;
	v1 =	vld [tilespmem:s16+$0xFFFFFFE0]  }
0x3b: {  	s13 =	sadd.s32 s13, s14  }
0x3c: {  	s16 =	sadd.s32 $0x40, s16;
	[tilespmem:s13+$0x1830 ss:$0x81] =	vst.msk $0xffff, v3  }
.Ltmp4:
0x3d: {  	_ = 	snop;
	(pc) =	sbr.rel .LBB1_4-.Ltmp4, $1  }
0x3e: {  	_ =	sdelay $0x3  }
.LBB1_6:
0x3f: {  	_ =	sfence.sel $0x180000  }
0x40: {  	s2 =	simm.s32 $0x1;
	[bflag:$0x0] =	sbarrier.arrive $0xFFFF  }
0x41: {  	s31 =	simm.s32 $0x2;
	[sflag:s2] =	ssyncpa.u1 $0x1  }
0x42: {  	[sflag:s31] =	ssyncpa.u1 $0x1  }
0x43: {  	p0 =	sne.s32 s0, $0x0;
	_ =	strace $0x9000004A  }
0x44: {  	s0 =	sadd.s32 @!p0 $0x100000, s1;
	[bflag:$0x2] =	sbarrier.arrive $0xFFFF  }
0x45: {  	[sflag:s0] =	ssyncadd.tile.s32 @!p0 $0x1;
	_ =	shalt  }
.Lfunc_end1:
_tile_overlayer_lowered:
.L_overlay_start_2:
0x46: {  	(tag) =	ssettag $0x2  }
0x47: {  	s0 =	rddreg [dreg:$0x0];
	s2 =	stileid.u32  }
0x48: {  	s1 =	rddreg [dreg:$0x1];
	p0 =	sne.s32 s2, $0x0  }
0x49: {  	s3 =	rddreg [dreg:$0x2];
	[bflag:$0x3] =	sbarrier.arrive $0xFFFF;
	s2 =	simm.s32 @!p0 $0x1C01  }
0x4a: {  	[timem:s3], [sflag:s2] =	dma.local @!p0 [hbm:s0], s1  }
0x4b: {  	s0 =	simm.s32 @!p0 $0x1  }
0x4c: {  	_ =	swait.ge @!p0 [sflag:s0], s1  }
0x4d: {  	s1 =	ssub.s32 @!p0 $0x0, s1;
	[sflag:s0] =	ssyncset.done @!p0 $0x0  }
0x4e: {  	[sflag:s0] =	ssyncadd.s32 @!p0 s1  }
0x4f: {  	[bflag:$0x3] =	sbarrier.arrive $0xFFFF  }
0x50: {  	_ =	shalt  }

</sc_bundles>
